<compile_context>
chip_gen: v7x
topology: tpu7x:2x2x1
jax: 0.10.2.dev20260603
libtpu: 0.0.44.dev20260713+nightly
codegen_flags: <defaults>
</compile_context>

<pallas_src>
import functools

import numpy as np

import jax
import jax.numpy as jnp
from jax import lax
from jax.experimental import pallas as pl
from jax.experimental.pallas import tpu as pltpu
from jax.experimental.pallas import tpu_sc as plsc

N_CLS = 1000
BATCH = 16384
COLS_PER_CHUNK = 128
STRIPE_MID = 504
STRIPES = ((0, STRIPE_MID), (STRIPE_MID, N_CLS - STRIPE_MID))


def _build_onehot_t():
    info = plsc.get_sparse_core_info()
    nw = info.num_cores * info.num_subcores
    cols_per_w = BATCH // nw
    n_chunks = cols_per_w // COLS_PER_CHUNK
    mesh = plsc.VectorSubcoreMesh(core_axis_name="c", subcore_axis_name="s")

    @functools.partial(
        pl.kernel,
        mesh=mesh,
        compiler_params=pltpu.CompilerParams(needs_layout_passes=False),
        out_type=jax.ShapeDtypeStruct((N_CLS, BATCH), jnp.float32),
        scratch_types=[
            pltpu.VMEM((cols_per_w,), jnp.int32),
            pltpu.VMEM((N_CLS, COLS_PER_CHUNK), jnp.float32),
            [pltpu.SemaphoreType.DMA] * len(STRIPES),
        ],
    )
    def k(x_hbm, zeros_hbm, out_hbm, idx_v, buf, sems):
        wid = lax.axis_index("s") * info.num_cores + lax.axis_index("c")
        col_base = wid * cols_per_w

        handles = [
            pltpu.async_copy(
                zeros_hbm.at[pl.ds(lo, sz)], buf.at[pl.ds(lo, sz)], sems[s]
            )
            for s, (lo, sz) in enumerate(STRIPES)
        ]
        pltpu.sync_copy(x_hbm.at[pl.ds(col_base, cols_per_w)], idx_v)

        lane = lax.iota(jnp.int32, 16)
        ones16 = jnp.full((16,), 1.0, jnp.float32)
        zeros16 = jnp.zeros((16,), jnp.float32)
        n_grp = COLS_PER_CHUNK // 16

        def load_chunk(chunk):
            xs = [
                idx_v[pl.ds(chunk * COLS_PER_CHUNK + g * 16, 16)]
                for g in range(n_grp)
            ]
            lo_m = [x < STRIPE_MID for x in xs]
            hi_m = [x >= STRIPE_MID for x in xs]
            return xs, (lo_m, hi_m)

        prev = None
        for c in range(n_chunks):
            cur = load_chunk(c)
            for s, (lo, sz) in enumerate(STRIPES):
                handles[s].wait()
                if prev is not None:
                    for g in range(n_grp):
                        plsc.store_scatter(
                            buf, [prev[0][g], g * 16 + lane], zeros16,
                            mask=prev[1][s][g],
                        )
                for g in range(n_grp):
                    plsc.store_scatter(
                        buf, [cur[0][g], g * 16 + lane], ones16, mask=cur[1][s][g]
                    )
                dst = out_hbm.at[
                    pl.ds(lo, sz), pl.ds(col_base + c * COLS_PER_CHUNK, COLS_PER_CHUNK)
                ]
                handles[s] = pltpu.async_copy(buf.at[pl.ds(lo, sz)], dst, sems[s])
            prev = cur

        for h in handles:
            h.wait()

    return k


_onehot_t = _build_onehot_t()


_ZEROS_BLK = np.zeros((N_CLS, COLS_PER_CHUNK), np.float32)


def kernel(X, eye):
    del eye
    return _onehot_t(X, _ZEROS_BLK).T

# --- scband reference (transcript-rebuilt; emitter-appended) ---
"""Pipeline reference for scband-discrete-input-module-23398981829286 (READ-ONLY COPY).

The authoritative reference and input builder live on the scoring server;
editing this copy changes nothing except your own understanding.
"""

import jax, jax.numpy as jnp
import numpy as np

N_CLASSES = 1000
BATCH = 16384

def setup_inputs(seed: int = 0) -> dict:
    key = jax.random.key(seed)
    X = jax.random.randint(key, (BATCH,), 0, N_CLASSES, dtype=jnp.int32)
    # The module registers an identity buffer 'eye'; forward's one_hot(X, n) is
    # mathematically identical to gathering rows of eye: eye[X].
    eye = jnp.eye(N_CLASSES, dtype=jnp.float32)
    return {"X": X, "eye": eye}

def reference(X, eye):
    # DiscreteInputModule.forward: X.shape[-1] != n, so returns
    # F.one_hot(X, num_classes=n).float() == eye[X]
    # Implemented as a row-gather from the identity table (SparseCore gather).
    return jnp.take(eye, X, axis=0)

if __name__ == "__main__":
    import jax
    _d = setup_inputs()
    print(jax.jit(kernel)(*tuple(_d.values())))

</pallas_src>

<mosaic_0001>
#map = affine_map<(d0, d1) -> (0)>
#map1 = affine_map<(d0, d1) -> (0, 0)>
module attributes {stable_mosaic.version = 14 : i64} {
  func.func @k(%arg0: i32, %arg1: i32, %arg2: memref<16384xi32, #tpu.memory_space<hbm>>, %arg3: memref<1000x128xf32, #tpu.memory_space<hbm>>, %arg4: memref<1000x16384xf32, #tpu.memory_space<hbm>>, %arg5: memref<512xi32, #tpu.memory_space<vmem>>, %arg6: memref<1000x128xf32, #tpu.memory_space<vmem>>, %arg7: memref<!tpu.dma_semaphore, #tpu.memory_space<semaphore_mem>>, %arg8: memref<!tpu.dma_semaphore, #tpu.memory_space<semaphore_mem>>) attributes {dimension_semantics = [#tpu.dimension_semantics<core_parallel>, #tpu.dimension_semantics<subcore_parallel>], iteration_bounds = array<i64: 2, 16>, scalar_prefetch = 0 : i64, scratch_operands = 4 : i64, tpu.core_type = #tpu.core_type<sc_vector_subcore>, window_params = [{transform_indices = #map}, {transform_indices = #map1}, {transform_indices = #map1}]} {
    %mul3A = arith.constant 2 : i32
    %mul3A_0 = arith.muli %arg1, %mul3A : i32
    %add3A = arith.addi %mul3A_0, %arg0 : i32
    %mul3A_1 = arith.constant 512 : i32
    %mul3A_2 = arith.muli %add3A, %mul3A_1 : i32
    %dma_start3A = arith.constant 0 : i32
    %dma_start3A_3 = arith.constant 0 : i32
    %dma_start3A_4 = tpu.memref_slice %arg6[%dma_start3A, %dma_start3A_3] : memref<1000x128xf32, #tpu.memory_space<vmem>> -> memref<504x128xf32, #tpu.memory_space<vmem>>
    %dma_start3A_5 = arith.constant 0 : i32
    %dma_start3A_6 = arith.constant 0 : i32
    %dma_start3A_7 = tpu.memref_slice %arg3[%dma_start3A_5, %dma_start3A_6] : memref<1000x128xf32, #tpu.memory_space<hbm>> -> memref<504x128xf32, #tpu.memory_space<hbm>>
    %dma_start3A_8 = arith.constant 0 : i32
    %dma_start3A_9 = arith.constant 0 : i32
    %dma_start3A_10 = tpu.memref_slice %arg6[%dma_start3A_8, %dma_start3A_9] : memref<1000x128xf32, #tpu.memory_space<vmem>> -> memref<504x128xf32, #tpu.memory_space<vmem>>
    %dma_start3A_11 = arith.constant 0 : i32
    %dma_start3A_12 = arith.constant 0 : i32
    %dma_start3A_13 = tpu.memref_slice %arg3[%dma_start3A_11, %dma_start3A_12] : memref<1000x128xf32, #tpu.memory_space<hbm>> -> memref<504x128xf32, #tpu.memory_space<hbm>>
    tpu.enqueue_dma source(%dma_start3A_13 : memref<504x128xf32, #tpu.memory_space<hbm>>) target(%dma_start3A_10 : memref<504x128xf32, #tpu.memory_space<vmem>>) target_semaphore(%arg7 : memref<!tpu.dma_semaphore, #tpu.memory_space<semaphore_mem>>)
    %dma_start3A_14 = arith.constant 504 : i32
    %dma_start3A_15 = arith.constant 0 : i32
    %dma_start3A_16 = tpu.memref_slice %arg6[%dma_start3A_14, %dma_start3A_15] : memref<1000x128xf32, #tpu.memory_space<vmem>> -> memref<496x128xf32, #tpu.memory_space<vmem>>
    %dma_start3A_17 = arith.constant 504 : i32
    %dma_start3A_18 = arith.constant 0 : i32
    %dma_start3A_19 = tpu.memref_slice %arg3[%dma_start3A_17, %dma_start3A_18] : memref<1000x128xf32, #tpu.memory_space<hbm>> -> memref<496x128xf32, #tpu.memory_space<hbm>>
    %dma_start3A_20 = arith.constant 504 : i32
    %dma_start3A_21 = arith.constant 0 : i32
    %dma_start3A_22 = tpu.memref_slice %arg6[%dma_start3A_20, %dma_start3A_21] : memref<1000x128xf32, #tpu.memory_space<vmem>> -> memref<496x128xf32, #tpu.memory_space<vmem>>
    %dma_start3A_23 = arith.constant 504 : i32
    %dma_start3A_24 = arith.constant 0 : i32
    %dma_start3A_25 = tpu.memref_slice %arg3[%dma_start3A_23, %dma_start3A_24] : memref<1000x128xf32, #tpu.memory_space<hbm>> -> memref<496x128xf32, #tpu.memory_space<hbm>>
    tpu.enqueue_dma source(%dma_start3A_25 : memref<496x128xf32, #tpu.memory_space<hbm>>) target(%dma_start3A_22 : memref<496x128xf32, #tpu.memory_space<vmem>>) target_semaphore(%arg8 : memref<!tpu.dma_semaphore, #tpu.memory_space<semaphore_mem>>)
    "tpu.region"() ({
      %run_scoped3A = tpu.sem_alloc : memref<!tpu.dma_semaphore, #tpu.memory_space<semaphore_mem>>
      %dma_start3A_817 = tpu.memref_slice %arg2[%mul3A_2] : memref<16384xi32, #tpu.memory_space<hbm>> -> memref<512xi32, #tpu.memory_space<hbm>>
      %dma_start3A_818 = tpu.memref_slice %arg2[%mul3A_2] : memref<16384xi32, #tpu.memory_space<hbm>> -> memref<512xi32, #tpu.memory_space<hbm>>
      tpu.enqueue_dma source(%dma_start3A_818 : memref<512xi32, #tpu.memory_space<hbm>>) target(%arg5 : memref<512xi32, #tpu.memory_space<vmem>>) target_semaphore(%run_scoped3A : memref<!tpu.dma_semaphore, #tpu.memory_space<semaphore_mem>>)
      %dma_wait3A_819 = tpu.memref_slice %arg2[%mul3A_2] : memref<16384xi32, #tpu.memory_space<hbm>> -> memref<512xi32, #tpu.memory_space<hbm>>
      %dma_wait3A_820 = tpu.memref_slice %arg2[%mul3A_2] : memref<16384xi32, #tpu.memory_space<hbm>> -> memref<512xi32, #tpu.memory_space<hbm>>
      tpu.wait_dma2 semaphore(%run_scoped3A : memref<!tpu.dma_semaphore, #tpu.memory_space<semaphore_mem>>) src(%dma_wait3A_820 : memref<512xi32, #tpu.memory_space<hbm>>) dst(%arg5 : memref<512xi32, #tpu.memory_space<vmem>>)
      tpu.yield
    }) : () -> ()
    %iota3A = tpu.iota {dimensions = array<i32: 0>} : vector<16xi32>
    %broadcast_in_dim3A = arith.constant 1.000000e+00 : f32
    %broadcast_in_dim3A_26 = vector.broadcast %broadcast_in_dim3A : f32 to vector<16xf32>
    %broadcast_in_dim3A_27 = arith.constant 0.000000e+00 : f32
    %broadcast_in_dim3A_28 = vector.broadcast %broadcast_in_dim3A_27 : f32 to vector<16xf32>
    %get3A = arith.constant 0 : index
    %get3A_29 = tpu.vector_load %arg5[%get3A] {strides = array<i32>} : memref<512xi32, #tpu.memory_space<vmem>>, vector<16xi32>,
    %get3A_30 = arith.constant 16 : index
    %get3A_31 = tpu.vector_load %arg5[%get3A_30] {strides = array<i32>} : memref<512xi32, #tpu.memory_space<vmem>>, vector<16xi32>,
    %get3A_32 = arith.constant 32 : index
    %get3A_33 = tpu.vector_load %arg5[%get3A_32] {strides = array<i32>} : memref<512xi32, #tpu.memory_space<vmem>>, vector<16xi32>,
    %get3A_34 = arith.constant 48 : index
    %get3A_35 = tpu.vector_load %arg5[%get3A_34] {strides = array<i32>} : memref<512xi32, #tpu.memory_space<vmem>>, vector<16xi32>,
    %get3A_36 = arith.constant 64 : index
    %get3A_37 = tpu.vector_load %arg5[%get3A_36] {strides = array<i32>} : memref<512xi32, #tpu.memory_space<vmem>>, vector<16xi32>,
    %get3A_38 = arith.constant 80 : index
    %get3A_39 = tpu.vector_load %arg5[%get3A_38] {strides = array<i32>} : memref<512xi32, #tpu.memory_space<vmem>>, vector<16xi32>,
    %get3A_40 = arith.constant 96 : index
    %get3A_41 = tpu.vector_load %arg5[%get3A_40] {strides = array<i32>} : memref<512xi32, #tpu.memory_space<vmem>>, vector<16xi32>,
    %get3A_42 = arith.constant 112 : index
    %get3A_43 = tpu.vector_load %arg5[%get3A_42] {strides = array<i32>} : memref<512xi32, #tpu.memory_space<vmem>>, vector<16xi32>,
    %lt3A = arith.constant 504 : i32
    %lt3A_44 = vector.broadcast %lt3A : i32 to vector<16xi32>
    %lt3A_45 = arith.cmpi slt, %get3A_29, %lt3A_44 : vector<16xi32>
    %lt3A_46 = arith.constant 504 : i32
    %lt3A_47 = vector.broadcast %lt3A_46 : i32 to vector<16xi32>
    %lt3A_48 = arith.cmpi slt, %get3A_31, %lt3A_47 : vector<16xi32>
    %lt3A_49 = arith.constant 504 : i32
    %lt3A_50 = vector.broadcast %lt3A_49 : i32 to vector<16xi32>
    %lt3A_51 = arith.cmpi slt, %get3A_33, %lt3A_50 : vector<16xi32>
    %lt3A_52 = arith.constant 504 : i32
    %lt3A_53 = vector.broadcast %lt3A_52 : i32 to vector<16xi32>
    %lt3A_54 = arith.cmpi slt, %get3A_35, %lt3A_53 : vector<16xi32>
    %lt3A_55 = arith.constant 504 : i32
    %lt3A_56 = vector.broadcast %lt3A_55 : i32 to vector<16xi32>
    %lt3A_57 = arith.cmpi slt, %get3A_37, %lt3A_56 : vector<16xi32>
    %lt3A_58 = arith.constant 504 : i32
    %lt3A_59 = vector.broadcast %lt3A_58 : i32 to vector<16xi32>
    %lt3A_60 = arith.cmpi slt, %get3A_39, %lt3A_59 : vector<16xi32>
    %lt3A_61 = arith.constant 504 : i32
    %lt3A_62 = vector.broadcast %lt3A_61 : i32 to vector<16xi32>
    %lt3A_63 = arith.cmpi slt, %get3A_41, %lt3A_62 : vector<16xi32>
    %lt3A_64 = arith.constant 504 : i32
    %lt3A_65 = vector.broadcast %lt3A_64 : i32 to vector<16xi32>
    %lt3A_66 = arith.cmpi slt, %get3A_43, %lt3A_65 : vector<16xi32>
    %ge3A = arith.constant 504 : i32
    %ge3A_67 = vector.broadcast %ge3A : i32 to vector<16xi32>
    %ge3A_68 = arith.cmpi sge, %get3A_29, %ge3A_67 : vector<16xi32>
    %ge3A_69 = arith.constant 504 : i32
    %ge3A_70 = vector.broadcast %ge3A_69 : i32 to vector<16xi32>
    %ge3A_71 = arith.cmpi sge, %get3A_31, %ge3A_70 : vector<16xi32>
    %ge3A_72 = arith.constant 504 : i32
    %ge3A_73 = vector.broadcast %ge3A_72 : i32 to vector<16xi32>
    %ge3A_74 = arith.cmpi sge, %get3A_33, %ge3A_73 : vector<16xi32>
    %ge3A_75 = arith.constant 504 : i32
    %ge3A_76 = vector.broadcast %ge3A_75 : i32 to vector<16xi32>
    %ge3A_77 = arith.cmpi sge, %get3A_35, %ge3A_76 : vector<16xi32>
    %ge3A_78 = arith.constant 504 : i32
    %ge3A_79 = vector.broadcast %ge3A_78 : i32 to vector<16xi32>
    %ge3A_80 = arith.cmpi sge, %get3A_37, %ge3A_79 : vector<16xi32>
    %ge3A_81 = arith.constant 504 : i32
    %ge3A_82 = vector.broadcast %ge3A_81 : i32 to vector<16xi32>
    %ge3A_83 = arith.cmpi sge, %get3A_39, %ge3A_82 : vector<16xi32>
    %ge3A_84 = arith.constant 504 : i32
    %ge3A_85 = vector.broadcast %ge3A_84 : i32 to vector<16xi32>
    %ge3A_86 = arith.cmpi sge, %get3A_41, %ge3A_85 : vector<16xi32>
    %ge3A_87 = arith.constant 504 : i32
    %ge3A_88 = vector.broadcast %ge3A_87 : i32 to vector<16xi32>
    %ge3A_89 = arith.cmpi sge, %get3A_43, %ge3A_88 : vector<16xi32>
    %dma_wait3A = arith.constant 0 : i32
    %dma_wait3A_90 = arith.constant 0 : i32
    %dma_wait3A_91 = tpu.memref_slice %arg6[%dma_wait3A, %dma_wait3A_90] : memref<1000x128xf32, #tpu.memory_space<vmem>> -> memref<504x128xf32, #tpu.memory_space<vmem>>
    %dma_wait3A_92 = arith.constant 0 : i32
    %dma_wait3A_93 = arith.constant 0 : i32
    %dma_wait3A_94 = tpu.memref_slice %arg3[%dma_wait3A_92, %dma_wait3A_93] : memref<1000x128xf32, #tpu.memory_space<hbm>> -> memref<504x128xf32, #tpu.memory_space<hbm>>
    %dma_wait3A_95 = arith.constant 0 : i32
    %dma_wait3A_96 = arith.constant 0 : i32
    %dma_wait3A_97 = tpu.memref_slice %arg6[%dma_wait3A_95, %dma_wait3A_96] : memref<1000x128xf32, #tpu.memory_space<vmem>> -> memref<504x128xf32, #tpu.memory_space<vmem>>
    %dma_wait3A_98 = arith.constant 0 : i32
    %dma_wait3A_99 = arith.constant 0 : i32
    %dma_wait3A_100 = tpu.memref_slice %arg3[%dma_wait3A_98, %dma_wait3A_99] : memref<1000x128xf32, #tpu.memory_space<hbm>> -> memref<504x128xf32, #tpu.memory_space<hbm>>
    tpu.wait_dma2 semaphore(%arg7 : memref<!tpu.dma_semaphore, #tpu.memory_space<semaphore_mem>>) src(%dma_wait3A_100 : memref<504x128xf32, #tpu.memory_space<hbm>>) dst(%dma_wait3A_97 : memref<504x128xf32, #tpu.memory_space<vmem>>)
    %add3A_101 = arith.constant 0 : i32
    %add3A_102 = vector.broadcast %add3A_101 : i32 to vector<16xi32>
    %add3A_103 = arith.addi %add3A_102, %iota3A : vector<16xi32>
    tpu.vector_store_idx %arg6[%get3A_29, %add3A_103], %broadcast_in_dim3A_26 masked %lt3A_45 : memref<1000x128xf32, #tpu.memory_space<vmem>>[vector<16xi32>, vector<16xi32>], vector<16xf32>, vector<16xi1>
    %add3A_104 = arith.constant 16 : i32
    %add3A_105 = vector.broadcast %add3A_104 : i32 to vector<16xi32>
    %add3A_106 = arith.addi %add3A_105, %iota3A : vector<16xi32>
    tpu.vector_store_idx %arg6[%get3A_31, %add3A_106], %broadcast_in_dim3A_26 masked %lt3A_48 : memref<1000x128xf32, #tpu.memory_space<vmem>>[vector<16xi32>, vector<16xi32>], vector<16xf32>, vector<16xi1>
    %add3A_107 = arith.constant 32 : i32
    %add3A_108 = vector.broadcast %add3A_107 : i32 to vector<16xi32>
    %add3A_109 = arith.addi %add3A_108, %iota3A : vector<16xi32>
    tpu.vector_store_idx %arg6[%get3A_33, %add3A_109], %broadcast_in_dim3A_26 masked %lt3A_51 : memref<1000x128xf32, #tpu.memory_space<vmem>>[vector<16xi32>, vector<16xi32>], vector<16xf32>, vector<16xi1>
    %add3A_110 = arith.constant 48 : i32
    %add3A_111 = vector.broadcast %add3A_110 : i32 to vector<16xi32>
    %add3A_112 = arith.addi %add3A_111, %iota3A : vector<16xi32>
    tpu.vector_store_idx %arg6[%get3A_35, %add3A_112], %broadcast_in_dim3A_26 masked %lt3A_54 : memref<1000x128xf32, #tpu.memory_space<vmem>>[vector<16xi32>, vector<16xi32>], vector<16xf32>, vector<16xi1>
    %add3A_113 = arith.constant 64 : i32
    %add3A_114 = vector.broadcast %add3A_113 : i32 to vector<16xi32>
    %add3A_115 = arith.addi %add3A_114, %iota3A : vector<16xi32>
    tpu.vector_store_idx %arg6[%get3A_37, %add3A_115], %broadcast_in_dim3A_26 masked %lt3A_57 : memref<1000x128xf32, #tpu.memory_space<vmem>>[vector<16xi32>, vector<16xi32>], vector<16xf32>, vector<16xi1>
    %add3A_116 = arith.constant 80 : i32
    %add3A_117 = vector.broadcast %add3A_116 : i32 to vector<16xi32>
    %add3A_118 = arith.addi %add3A_117, %iota3A : vector<16xi32>
    tpu.vector_store_idx %arg6[%get3A_39, %add3A_118], %broadcast_in_dim3A_26 masked %lt3A_60 : memref<1000x128xf32, #tpu.memory_space<vmem>>[vector<16xi32>, vector<16xi32>], vector<16xf32>, vector<16xi1>
    %add3A_119 = arith.constant 96 : i32
    %add3A_120 = vector.broadcast %add3A_119 : i32 to vector<16xi32>
    %add3A_121 = arith.addi %add3A_120, %iota3A : vector<16xi32>
    tpu.vector_store_idx %arg6[%get3A_41, %add3A_121], %broadcast_in_dim3A_26 masked %lt3A_63 : memref<1000x128xf32, #tpu.memory_space<vmem>>[vector<16xi32>, vector<16xi32>], vector<16xf32>, vector<16xi1>
    %add3A_122 = arith.constant 112 : i32
    %add3A_123 = vector.broadcast %add3A_122 : i32 to vector<16xi32>
    %add3A_124 = arith.addi %add3A_123, %iota3A : vector<16xi32>
    tpu.vector_store_idx %arg6[%get3A_43, %add3A_124], %broadcast_in_dim3A_26 masked %lt3A_66 : memref<1000x128xf32, #tpu.memory_space<vmem>>[vector<16xi32>, vector<16xi32>], vector<16xf32>, vector<16xi1>
    %add3A_125 = arith.constant 0 : i32
    %add3A_126 = arith.addi %mul3A_2, %add3A_125 : i32
    %dma_start3A_127 = arith.constant 0 : i32
    %dma_start3A_128 = arith.constant 0 : i32
    %dma_start3A_129 = tpu.memref_slice %arg6[%dma_start3A_127, %dma_start3A_128] : memref<1000x128xf32, #tpu.memory_space<vmem>> -> memref<504x128xf32, #tpu.memory_space<vmem>>
    %dma_start3A_130 = arith.constant 0 : i32
    %dma_start3A_131 = tpu.memref_slice %arg4[%dma_start3A_130, %add3A_126] : memref<1000x16384xf32, #tpu.memory_space<hbm>> -> memref<504x128xf32, #tpu.memory_space<hbm>>
    %dma_start3A_132 = arith.constant 0 : i32
    %dma_start3A_133 = tpu.memref_slice %arg4[%dma_start3A_132, %add3A_126] : memref<1000x16384xf32, #tpu.memory_space<hbm>> -> memref<504x128xf32, #tpu.memory_space<hbm>>
    %dma_start3A_134 = arith.constant 0 : i32
    %dma_start3A_135 = arith.constant 0 : i32
    %dma_start3A_136 = tpu.memref_slice %arg6[%dma_start3A_134, %dma_start3A_135] : memref<1000x128xf32, #tpu.memory_space<vmem>> -> memref<504x128xf32, #tpu.memory_space<vmem>>
    tpu.enqueue_dma source(%dma_start3A_136 : memref<504x128xf32, #tpu.memory_space<vmem>>) target(%dma_start3A_133 : memref<504x128xf32, #tpu.memory_space<hbm>>) target_semaphore(%arg7 : memref<!tpu.dma_semaphore, #tpu.memory_space<semaphore_mem>>)
    %dma_wait3A_137 = arith.constant 504 : i32
    %dma_wait3A_138 = arith.constant 0 : i32
    %dma_wait3A_139 = tpu.memref_slice %arg6[%dma_wait3A_137, %dma_wait3A_138] : memref<1000x128xf32, #tpu.memory_space<vmem>> -> memref<496x128xf32, #tpu.memory_space<vmem>>
    %dma_wait3A_140 = arith.constant 504 : i32
    %dma_wait3A_141 = arith.constant 0 : i32
    %dma_wait3A_142 = tpu.memref_slice %arg3[%dma_wait3A_140, %dma_wait3A_141] : memref<1000x128xf32, #tpu.memory_space<hbm>> -> memref<496x128xf32, #tpu.memory_space<hbm>>
    %dma_wait3A_143 = arith.constant 504 : i32
    %dma_wait3A_144 = arith.constant 0 : i32
    %dma_wait3A_145 = tpu.memref_slice %arg6[%dma_wait3A_143, %dma_wait3A_144] : memref<1000x128xf32, #tpu.memory_space<vmem>> -> memref<496x128xf32, #tpu.memory_space<vmem>>
    %dma_wait3A_146 = arith.constant 504 : i32
    %dma_wait3A_147 = arith.constant 0 : i32
    %dma_wait3A_148 = tpu.memref_slice %arg3[%dma_wait3A_146, %dma_wait3A_147] : memref<1000x128xf32, #tpu.memory_space<hbm>> -> memref<496x128xf32, #tpu.memory_space<hbm>>
    tpu.wait_dma2 semaphore(%arg8 : memref<!tpu.dma_semaphore, #tpu.memory_space<semaphore_mem>>) src(%dma_wait3A_148 : memref<496x128xf32, #tpu.memory_space<hbm>>) dst(%dma_wait3A_145 : memref<496x128xf32, #tpu.memory_space<vmem>>)
    %add3A_149 = arith.constant 0 : i32
    %add3A_150 = vector.broadcast %add3A_149 : i32 to vector<16xi32>
    %add3A_151 = arith.addi %add3A_150, %iota3A : vector<16xi32>
    tpu.vector_store_idx %arg6[%get3A_29, %add3A_151], %broadcast_in_dim3A_26 masked %ge3A_68 : memref<1000x128xf32, #tpu.memory_space<vmem>>[vector<16xi32>, vector<16xi32>], vector<16xf32>, vector<16xi1>
    %add3A_152 = arith.constant 16 : i32
    %add3A_153 = vector.broadcast %add3A_152 : i32 to vector<16xi32>
    %add3A_154 = arith.addi %add3A_153, %iota3A : vector<16xi32>
    tpu.vector_store_idx %arg6[%get3A_31, %add3A_154], %broadcast_in_dim3A_26 masked %ge3A_71 : memref<1000x128xf32, #tpu.memory_space<vmem>>[vector<16xi32>, vector<16xi32>], vector<16xf32>, vector<16xi1>
    %add3A_155 = arith.constant 32 : i32
    %add3A_156 = vector.broadcast %add3A_155 : i32 to vector<16xi32>
    %add3A_157 = arith.addi %add3A_156, %iota3A : vector<16xi32>
    tpu.vector_store_idx %arg6[%get3A_33, %add3A_157], %broadcast_in_dim3A_26 masked %ge3A_74 : memref<1000x128xf32, #tpu.memory_space<vmem>>[vector<16xi32>, vector<16xi32>], vector<16xf32>, vector<16xi1>
    %add3A_158 = arith.constant 48 : i32
    %add3A_159 = vector.broadcast %add3A_158 : i32 to vector<16xi32>
    %add3A_160 = arith.addi %add3A_159, %iota3A : vector<16xi32>
    tpu.vector_store_idx %arg6[%get3A_35, %add3A_160], %broadcast_in_dim3A_26 masked %ge3A_77 : memref<1000x128xf32, #tpu.memory_space<vmem>>[vector<16xi32>, vector<16xi32>], vector<16xf32>, vector<16xi1>
    %add3A_161 = arith.constant 64 : i32
    %add3A_162 = vector.broadcast %add3A_161 : i32 to vector<16xi32>
    %add3A_163 = arith.addi %add3A_162, %iota3A : vector<16xi32>
    tpu.vector_store_idx %arg6[%get3A_37, %add3A_163], %broadcast_in_dim3A_26 masked %ge3A_80 : memref<1000x128xf32, #tpu.memory_space<vmem>>[vector<16xi32>, vector<16xi32>], vector<16xf32>, vector<16xi1>
    %add3A_164 = arith.constant 80 : i32
    %add3A_165 = vector.broadcast %add3A_164 : i32 to vector<16xi32>
    %add3A_166 = arith.addi %add3A_165, %iota3A : vector<16xi32>
    tpu.vector_store_idx %arg6[%get3A_39, %add3A_166], %broadcast_in_dim3A_26 masked %ge3A_83 : memref<1000x128xf32, #tpu.memory_space<vmem>>[vector<16xi32>, vector<16xi32>], vector<16xf32>, vector<16xi1>
    %add3A_167 = arith.constant 96 : i32
    %add3A_168 = vector.broadcast %add3A_167 : i32 to vector<16xi32>
    %add3A_169 = arith.addi %add3A_168, %iota3A : vector<16xi32>
    tpu.vector_store_idx %arg6[%get3A_41, %add3A_169], %broadcast_in_dim3A_26 masked %ge3A_86 : memref<1000x128xf32, #tpu.memory_space<vmem>>[vector<16xi32>, vector<16xi32>], vector<16xf32>, vector<16xi1>
    %add3A_170 = arith.constant 112 : i32
    %add3A_171 = vector.broadcast %add3A_170 : i32 to vector<16xi32>
    %add3A_172 = arith.addi %add3A_171, %iota3A : vector<16xi32>
    tpu.vector_store_idx %arg6[%get3A_43, %add3A_172], %broadcast_in_dim3A_26 masked %ge3A_89 : memref<1000x128xf32, #tpu.memory_space<vmem>>[vector<16xi32>, vector<16xi32>], vector<16xf32>, vector<16xi1>
    %add3A_173 = arith.constant 0 : i32
    %add3A_174 = arith.addi %mul3A_2, %add3A_173 : i32
    %dma_start3A_175 = arith.constant 504 : i32
    %dma_start3A_176 = arith.constant 0 : i32
    %dma_start3A_177 = tpu.memref_slice %arg6[%dma_start3A_175, %dma_start3A_176] : memref<1000x128xf32, #tpu.memory_space<vmem>> -> memref<496x128xf32, #tpu.memory_space<vmem>>
    %dma_start3A_178 = arith.constant 504 : i32
    %dma_start3A_179 = tpu.memref_slice %arg4[%dma_start3A_178, %add3A_174] : memref<1000x16384xf32, #tpu.memory_space<hbm>> -> memref<496x128xf32, #tpu.memory_space<hbm>>
    %dma_start3A_180 = arith.constant 504 : i32
    %dma_start3A_181 = tpu.memref_slice %arg4[%dma_start3A_180, %add3A_174] : memref<1000x16384xf32, #tpu.memory_space<hbm>> -> memref<496x128xf32, #tpu.memory_space<hbm>>
    %dma_start3A_182 = arith.constant 504 : i32
    %dma_start3A_183 = arith.constant 0 : i32
    %dma_start3A_184 = tpu.memref_slice %arg6[%dma_start3A_182, %dma_start3A_183] : memref<1000x128xf32, #tpu.memory_space<vmem>> -> memref<496x128xf32, #tpu.memory_space<vmem>>
    tpu.enqueue_dma source(%dma_start3A_184 : memref<496x128xf32, #tpu.memory_space<vmem>>) target(%dma_start3A_181 : memref<496x128xf32, #tpu.memory_space<hbm>>) target_semaphore(%arg8 : memref<!tpu.dma_semaphore, #tpu.memory_space<semaphore_mem>>)
    %get3A_185 = arith.constant 128 : index
    %get3A_186 = tpu.vector_load %arg5[%get3A_185] {strides = array<i32>} : memref<512xi32, #tpu.memory_space<vmem>>, vector<16xi32>,
    %get3A_187 = arith.constant 144 : index
    %get3A_188 = tpu.vector_load %arg5[%get3A_187] {strides = array<i32>} : memref<512xi32, #tpu.memory_space<vmem>>, vector<16xi32>,
    %get3A_189 = arith.constant 160 : index
    %get3A_190 = tpu.vector_load %arg5[%get3A_189] {strides = array<i32>} : memref<512xi32, #tpu.memory_space<vmem>>, vector<16xi32>,
    %get3A_191 = arith.constant 176 : index
    %get3A_192 = tpu.vector_load %arg5[%get3A_191] {strides = array<i32>} : memref<512xi32, #tpu.memory_space<vmem>>, vector<16xi32>,
    %get3A_193 = arith.constant 192 : index
    %get3A_194 = tpu.vector_load %arg5[%get3A_193] {strides = array<i32>} : memref<512xi32, #tpu.memory_space<vmem>>, vector<16xi32>,
    %get3A_195 = arith.constant 208 : index
    %get3A_196 = tpu.vector_load %arg5[%get3A_195] {strides = array<i32>} : memref<512xi32, #tpu.memory_space<vmem>>, vector<16xi32>,
    %get3A_197 = arith.constant 224 : index
    %get3A_198 = tpu.vector_load %arg5[%get3A_197] {strides = array<i32>} : memref<512xi32, #tpu.memory_space<vmem>>, vector<16xi32>,
    %get3A_199 = arith.constant 240 : index
    %get3A_200 = tpu.vector_load %arg5[%get3A_199] {strides = array<i32>} : memref<512xi32, #tpu.memory_space<vmem>>, vector<16xi32>,
    %lt3A_201 = arith.constant 504 : i32
    %lt3A_202 = vector.broadcast %lt3A_201 : i32 to vector<16xi32>
    %lt3A_203 = arith.cmpi slt, %get3A_186, %lt3A_202 : vector<16xi32>
    %lt3A_204 = arith.constant 504 : i32
    %lt3A_205 = vector.broadcast %lt3A_204 : i32 to vector<16xi32>
    %lt3A_206 = arith.cmpi slt, %get3A_188, %lt3A_205 : vector<16xi32>
    %lt3A_207 = arith.constant 504 : i32
    %lt3A_208 = vector.broadcast %lt3A_207 : i32 to vector<16xi32>
    %lt3A_209 = arith.cmpi slt, %get3A_190, %lt3A_208 : vector<16xi32>
    %lt3A_210 = arith.constant 504 : i32
    %lt3A_211 = vector.broadcast %lt3A_210 : i32 to vector<16xi32>
    %lt3A_212 = arith.cmpi slt, %get3A_192, %lt3A_211 : vector<16xi32>
    %lt3A_213 = arith.constant 504 : i32
    %lt3A_214 = vector.broadcast %lt3A_213 : i32 to vector<16xi32>
    %lt3A_215 = arith.cmpi slt, %get3A_194, %lt3A_214 : vector<16xi32>
    %lt3A_216 = arith.constant 504 : i32
    %lt3A_217 = vector.broadcast %lt3A_216 : i32 to vector<16xi32>
    %lt3A_218 = arith.cmpi slt, %get3A_196, %lt3A_217 : vector<16xi32>
    %lt3A_219 = arith.constant 504 : i32
    %lt3A_220 = vector.broadcast %lt3A_219 : i32 to vector<16xi32>
    %lt3A_221 = arith.cmpi slt, %get3A_198, %lt3A_220 : vector<16xi32>
    %lt3A_222 = arith.constant 504 : i32
    %lt3A_223 = vector.broadcast %lt3A_222 : i32 to vector<16xi32>
    %lt3A_224 = arith.cmpi slt, %get3A_200, %lt3A_223 : vector<16xi32>
    %ge3A_225 = arith.constant 504 : i32
    %ge3A_226 = vector.broadcast %ge3A_225 : i32 to vector<16xi32>
    %ge3A_227 = arith.cmpi sge, %get3A_186, %ge3A_226 : vector<16xi32>
    %ge3A_228 = arith.constant 504 : i32
    %ge3A_229 = vector.broadcast %ge3A_228 : i32 to vector<16xi32>
    %ge3A_230 = arith.cmpi sge, %get3A_188, %ge3A_229 : vector<16xi32>
    %ge3A_231 = arith.constant 504 : i32
    %ge3A_232 = vector.broadcast %ge3A_231 : i32 to vector<16xi32>
    %ge3A_233 = arith.cmpi sge, %get3A_190, %ge3A_232 : vector<16xi32>
    %ge3A_234 = arith.constant 504 : i32
    %ge3A_235 = vector.broadcast %ge3A_234 : i32 to vector<16xi32>
    %ge3A_236 = arith.cmpi sge, %get3A_192, %ge3A_235 : vector<16xi32>
    %ge3A_237 = arith.constant 504 : i32
    %ge3A_238 = vector.broadcast %ge3A_237 : i32 to vector<16xi32>
    %ge3A_239 = arith.cmpi sge, %get3A_194, %ge3A_238 : vector<16xi32>
    %ge3A_240 = arith.constant 504 : i32
    %ge3A_241 = vector.broadcast %ge3A_240 : i32 to vector<16xi32>
    %ge3A_242 = arith.cmpi sge, %get3A_196, %ge3A_241 : vector<16xi32>
    %ge3A_243 = arith.constant 504 : i32
    %ge3A_244 = vector.broadcast %ge3A_243 : i32 to vector<16xi32>
    %ge3A_245 = arith.cmpi sge, %get3A_198, %ge3A_244 : vector<16xi32>
    %ge3A_246 = arith.constant 504 : i32
    %ge3A_247 = vector.broadcast %ge3A_246 : i32 to vector<16xi32>
    %ge3A_248 = arith.cmpi sge, %get3A_200, %ge3A_247 : vector<16xi32>
    %dma_wait3A_249 = arith.constant 0 : i32
    %dma_wait3A_250 = arith.constant 0 : i32
    %dma_wait3A_251 = tpu.memref_slice %arg6[%dma_wait3A_249, %dma_wait3A_250] : memref<1000x128xf32, #tpu.memory_space<vmem>> -> memref<504x128xf32, #tpu.memory_space<vmem>>
    %dma_wait3A_252 = arith.constant 0 : i32
    %dma_wait3A_253 = tpu.memref_slice %arg4[%dma_wait3A_252, %add3A_126] : memref<1000x16384xf32, #tpu.memory_space<hbm>> -> memref<504x128xf32, #tpu.memory_space<hbm>>
    %dma_wait3A_254 = arith.constant 0 : i32
    %dma_wait3A_255 = tpu.memref_slice %arg4[%dma_wait3A_254, %add3A_126] : memref<1000x16384xf32, #tpu.memory_space<hbm>> -> memref<504x128xf32, #tpu.memory_space<hbm>>
    %dma_wait3A_256 = arith.constant 0 : i32
    %dma_wait3A_257 = arith.constant 0 : i32
    %dma_wait3A_258 = tpu.memref_slice %arg6[%dma_wait3A_256, %dma_wait3A_257] : memref<1000x128xf32, #tpu.memory_space<vmem>> -> memref<504x128xf32, #tpu.memory_space<vmem>>
    tpu.wait_dma2 semaphore(%arg7 : memref<!tpu.dma_semaphore, #tpu.memory_space<semaphore_mem>>) src(%dma_wait3A_258 : memref<504x128xf32, #tpu.memory_space<vmem>>) dst(%dma_wait3A_255 : memref<504x128xf32, #tpu.memory_space<hbm>>)
    %add3A_259 = arith.constant 0 : i32
    %add3A_260 = vector.broadcast %add3A_259 : i32 to vector<16xi32>
    %add3A_261 = arith.addi %add3A_260, %iota3A : vector<16xi32>
    tpu.vector_store_idx %arg6[%get3A_29, %add3A_261], %broadcast_in_dim3A_28 masked %lt3A_45 : memref<1000x128xf32, #tpu.memory_space<vmem>>[vector<16xi32>, vector<16xi32>], vector<16xf32>, vector<16xi1>
    %add3A_262 = arith.constant 16 : i32
    %add3A_263 = vector.broadcast %add3A_262 : i32 to vector<16xi32>
    %add3A_264 = arith.addi %add3A_263, %iota3A : vector<16xi32>
    tpu.vector_store_idx %arg6[%get3A_31, %add3A_264], %broadcast_in_dim3A_28 masked %lt3A_48 : memref<1000x128xf32, #tpu.memory_space<vmem>>[vector<16xi32>, vector<16xi32>], vector<16xf32>, vector<16xi1>
    %add3A_265 = arith.constant 32 : i32
    %add3A_266 = vector.broadcast %add3A_265 : i32 to vector<16xi32>
    %add3A_267 = arith.addi %add3A_266, %iota3A : vector<16xi32>
    tpu.vector_store_idx %arg6[%get3A_33, %add3A_267], %broadcast_in_dim3A_28 masked %lt3A_51 : memref<1000x128xf32, #tpu.memory_space<vmem>>[vector<16xi32>, vector<16xi32>], vector<16xf32>, vector<16xi1>
    %add3A_268 = arith.constant 48 : i32
    %add3A_269 = vector.broadcast %add3A_268 : i32 to vector<16xi32>
    %add3A_270 = arith.addi %add3A_269, %iota3A : vector<16xi32>
    tpu.vector_store_idx %arg6[%get3A_35, %add3A_270], %broadcast_in_dim3A_28 masked %lt3A_54 : memref<1000x128xf32, #tpu.memory_space<vmem>>[vector<16xi32>, vector<16xi32>], vector<16xf32>, vector<16xi1>
    %add3A_271 = arith.constant 64 : i32
    %add3A_272 = vector.broadcast %add3A_271 : i32 to vector<16xi32>
    %add3A_273 = arith.addi %add3A_272, %iota3A : vector<16xi32>
    tpu.vector_store_idx %arg6[%get3A_37, %add3A_273], %broadcast_in_dim3A_28 masked %lt3A_57 : memref<1000x128xf32, #tpu.memory_space<vmem>>[vector<16xi32>, vector<16xi32>], vector<16xf32>, vector<16xi1>
    %add3A_274 = arith.constant 80 : i32
    %add3A_275 = vector.broadcast %add3A_274 : i32 to vector<16xi32>
    %add3A_276 = arith.addi %add3A_275, %iota3A : vector<16xi32>
    tpu.vector_store_idx %arg6[%get3A_39, %add3A_276], %broadcast_in_dim3A_28 masked %lt3A_60 : memref<1000x128xf32, #tpu.memory_space<vmem>>[vector<16xi32>, vector<16xi32>], vector<16xf32>, vector<16xi1>
    %add3A_277 = arith.constant 96 : i32
    %add3A_278 = vector.broadcast %add3A_277 : i32 to vector<16xi32>
    %add3A_279 = arith.addi %add3A_278, %iota3A : vector<16xi32>
    tpu.vector_store_idx %arg6[%get3A_41, %add3A_279], %broadcast_in_dim3A_28 masked %lt3A_63 : memref<1000x128xf32, #tpu.memory_space<vmem>>[vector<16xi32>, vector<16xi32>], vector<16xf32>, vector<16xi1>
    %add3A_280 = arith.constant 112 : i32
    %add3A_281 = vector.broadcast %add3A_280 : i32 to vector<16xi32>
    %add3A_282 = arith.addi %add3A_281, %iota3A : vector<16xi32>
    tpu.vector_store_idx %arg6[%get3A_43, %add3A_282], %broadcast_in_dim3A_28 masked %lt3A_66 : memref<1000x128xf32, #tpu.memory_space<vmem>>[vector<16xi32>, vector<16xi32>], vector<16xf32>, vector<16xi1>
    %add3A_283 = arith.constant 0 : i32
    %add3A_284 = vector.broadcast %add3A_283 : i32 to vector<16xi32>
    %add3A_285 = arith.addi %add3A_284, %iota3A : vector<16xi32>
    tpu.vector_store_idx %arg6[%get3A_186, %add3A_285], %broadcast_in_dim3A_26 masked %lt3A_203 : memref<1000x128xf32, #tpu.memory_space<vmem>>[vector<16xi32>, vector<16xi32>], vector<16xf32>, vector<16xi1>
    %add3A_286 = arith.constant 16 : i32
    %add3A_287 = vector.broadcast %add3A_286 : i32 to vector<16xi32>
    %add3A_288 = arith.addi %add3A_287, %iota3A : vector<16xi32>
    tpu.vector_store_idx %arg6[%get3A_188, %add3A_288], %broadcast_in_dim3A_26 masked %lt3A_206 : memref<1000x128xf32, #tpu.memory_space<vmem>>[vector<16xi32>, vector<16xi32>], vector<16xf32>, vector<16xi1>
    %add3A_289 = arith.constant 32 : i32
    %add3A_290 = vector.broadcast %add3A_289 : i32 to vector<16xi32>
    %add3A_291 = arith.addi %add3A_290, %iota3A : vector<16xi32>
    tpu.vector_store_idx %arg6[%get3A_190, %add3A_291], %broadcast_in_dim3A_26 masked %lt3A_209 : memref<1000x128xf32, #tpu.memory_space<vmem>>[vector<16xi32>, vector<16xi32>], vector<16xf32>, vector<16xi1>
    %add3A_292 = arith.constant 48 : i32
    %add3A_293 = vector.broadcast %add3A_292 : i32 to vector<16xi32>
    %add3A_294 = arith.addi %add3A_293, %iota3A : vector<16xi32>
    tpu.vector_store_idx %arg6[%get3A_192, %add3A_294], %broadcast_in_dim3A_26 masked %lt3A_212 : memref<1000x128xf32, #tpu.memory_space<vmem>>[vector<16xi32>, vector<16xi32>], vector<16xf32>, vector<16xi1>
    %add3A_295 = arith.constant 64 : i32
    %add3A_296 = vector.broadcast %add3A_295 : i32 to vector<16xi32>
    %add3A_297 = arith.addi %add3A_296, %iota3A : vector<16xi32>
    tpu.vector_store_idx %arg6[%get3A_194, %add3A_297], %broadcast_in_dim3A_26 masked %lt3A_215 : memref<1000x128xf32, #tpu.memory_space<vmem>>[vector<16xi32>, vector<16xi32>], vector<16xf32>, vector<16xi1>
    %add3A_298 = arith.constant 80 : i32
    %add3A_299 = vector.broadcast %add3A_298 : i32 to vector<16xi32>
    %add3A_300 = arith.addi %add3A_299, %iota3A : vector<16xi32>
    tpu.vector_store_idx %arg6[%get3A_196, %add3A_300], %broadcast_in_dim3A_26 masked %lt3A_218 : memref<1000x128xf32, #tpu.memory_space<vmem>>[vector<16xi32>, vector<16xi32>], vector<16xf32>, vector<16xi1>
    %add3A_301 = arith.constant 96 : i32
    %add3A_302 = vector.broadcast %add3A_301 : i32 to vector<16xi32>
    %add3A_303 = arith.addi %add3A_302, %iota3A : vector<16xi32>
    tpu.vector_store_idx %arg6[%get3A_198, %add3A_303], %broadcast_in_dim3A_26 masked %lt3A_221 : memref<1000x128xf32, #tpu.memory_space<vmem>>[vector<16xi32>, vector<16xi32>], vector<16xf32>, vector<16xi1>
    %add3A_304 = arith.constant 112 : i32
    %add3A_305 = vector.broadcast %add3A_304 : i32 to vector<16xi32>
    %add3A_306 = arith.addi %add3A_305, %iota3A : vector<16xi32>
    tpu.vector_store_idx %arg6[%get3A_200, %add3A_306], %broadcast_in_dim3A_26 masked %lt3A_224 : memref<1000x128xf32, #tpu.memory_space<vmem>>[vector<16xi32>, vector<16xi32>], vector<16xf32>, vector<16xi1>
    %add3A_307 = arith.constant 128 : i32
    %add3A_308 = arith.addi %mul3A_2, %add3A_307 : i32
    %dma_start3A_309 = arith.constant 0 : i32
    %dma_start3A_310 = arith.constant 0 : i32
    %dma_start3A_311 = tpu.memref_slice %arg6[%dma_start3A_309, %dma_start3A_310] : memref<1000x128xf32, #tpu.memory_space<vmem>> -> memref<504x128xf32, #tpu.memory_space<vmem>>
    %dma_start3A_312 = arith.constant 0 : i32
    %dma_start3A_313 = tpu.memref_slice %arg4[%dma_start3A_312, %add3A_308] : memref<1000x16384xf32, #tpu.memory_space<hbm>> -> memref<504x128xf32, #tpu.memory_space<hbm>>
    %dma_start3A_314 = arith.constant 0 : i32
    %dma_start3A_315 = tpu.memref_slice %arg4[%dma_start3A_314, %add3A_308] : memref<1000x16384xf32, #tpu.memory_space<hbm>> -> memref<504x128xf32, #tpu.memory_space<hbm>>
    %dma_start3A_316 = arith.constant 0 : i32
    %dma_start3A_317 = arith.constant 0 : i32
    %dma_start3A_318 = tpu.memref_slice %arg6[%dma_start3A_316, %dma_start3A_317] : memref<1000x128xf32, #tpu.memory_space<vmem>> -> memref<504x128xf32, #tpu.memory_space<vmem>>
    tpu.enqueue_dma source(%dma_start3A_318 : memref<504x128xf32, #tpu.memory_space<vmem>>) target(%dma_start3A_315 : memref<504x128xf32, #tpu.memory_space<hbm>>) target_semaphore(%arg7 : memref<!tpu.dma_semaphore, #tpu.memory_space<semaphore_mem>>)
    %dma_wait3A_319 = arith.constant 504 : i32
    %dma_wait3A_320 = arith.constant 0 : i32
    %dma_wait3A_321 = tpu.memref_slice %arg6[%dma_wait3A_319, %dma_wait3A_320] : memref<1000x128xf32, #tpu.memory_space<vmem>> -> memref<496x128xf32, #tpu.memory_space<vmem>>
    %dma_wait3A_322 = arith.constant 504 : i32
    %dma_wait3A_323 = tpu.memref_slice %arg4[%dma_wait3A_322, %add3A_174] : memref<1000x16384xf32, #tpu.memory_space<hbm>> -> memref<496x128xf32, #tpu.memory_space<hbm>>
    %dma_wait3A_324 = arith.constant 504 : i32
    %dma_wait3A_325 = tpu.memref_slice %arg4[%dma_wait3A_324, %add3A_174] : memref<1000x16384xf32, #tpu.memory_space<hbm>> -> memref<496x128xf32, #tpu.memory_space<hbm>>
    %dma_wait3A_326 = arith.constant 504 : i32
    %dma_wait3A_327 = arith.constant 0 : i32
    %dma_wait3A_328 = tpu.memref_slice %arg6[%dma_wait3A_326, %dma_wait3A_327] : memref<1000x128xf32, #tpu.memory_space<vmem>> -> memref<496x128xf32, #tpu.memory_space<vmem>>
    tpu.wait_dma2 semaphore(%arg8 : memref<!tpu.dma_semaphore, #tpu.memory_space<semaphore_mem>>) src(%dma_wait3A_328 : memref<496x128xf32, #tpu.memory_space<vmem>>) dst(%dma_wait3A_325 : memref<496x128xf32, #tpu.memory_space<hbm>>)
    %add3A_329 = arith.constant 0 : i32
    %add3A_330 = vector.broadcast %add3A_329 : i32 to vector<16xi32>
    %add3A_331 = arith.addi %add3A_330, %iota3A : vector<16xi32>
    tpu.vector_store_idx %arg6[%get3A_29, %add3A_331], %broadcast_in_dim3A_28 masked %ge3A_68 : memref<1000x128xf32, #tpu.memory_space<vmem>>[vector<16xi32>, vector<16xi32>], vector<16xf32>, vector<16xi1>
    %add3A_332 = arith.constant 16 : i32
    %add3A_333 = vector.broadcast %add3A_332 : i32 to vector<16xi32>
    %add3A_334 = arith.addi %add3A_333, %iota3A : vector<16xi32>
    tpu.vector_store_idx %arg6[%get3A_31, %add3A_334], %broadcast_in_dim3A_28 masked %ge3A_71 : memref<1000x128xf32, #tpu.memory_space<vmem>>[vector<16xi32>, vector<16xi32>], vector<16xf32>, vector<16xi1>
    %add3A_335 = arith.constant 32 : i32
    %add3A_336 = vector.broadcast %add3A_335 : i32 to vector<16xi32>
    %add3A_337 = arith.addi %add3A_336, %iota3A : vector<16xi32>
    tpu.vector_store_idx %arg6[%get3A_33, %add3A_337], %broadcast_in_dim3A_28 masked %ge3A_74 : memref<1000x128xf32, #tpu.memory_space<vmem>>[vector<16xi32>, vector<16xi32>], vector<16xf32>, vector<16xi1>
    %add3A_338 = arith.constant 48 : i32
    %add3A_339 = vector.broadcast %add3A_338 : i32 to vector<16xi32>
    %add3A_340 = arith.addi %add3A_339, %iota3A : vector<16xi32>
    tpu.vector_store_idx %arg6[%get3A_35, %add3A_340], %broadcast_in_dim3A_28 masked %ge3A_77 : memref<1000x128xf32, #tpu.memory_space<vmem>>[vector<16xi32>, vector<16xi32>], vector<16xf32>, vector<16xi1>
    %add3A_341 = arith.constant 64 : i32
    %add3A_342 = vector.broadcast %add3A_341 : i32 to vector<16xi32>
    %add3A_343 = arith.addi %add3A_342, %iota3A : vector<16xi32>
    tpu.vector_store_idx %arg6[%get3A_37, %add3A_343], %broadcast_in_dim3A_28 masked %ge3A_80 : memref<1000x128xf32, #tpu.memory_space<vmem>>[vector<16xi32>, vector<16xi32>], vector<16xf32>, vector<16xi1>
    %add3A_344 = arith.constant 80 : i32
    %add3A_345 = vector.broadcast %add3A_344 : i32 to vector<16xi32>
    %add3A_346 = arith.addi %add3A_345, %iota3A : vector<16xi32>
    tpu.vector_store_idx %arg6[%get3A_39, %add3A_346], %broadcast_in_dim3A_28 masked %ge3A_83 : memref<1000x128xf32, #tpu.memory_space<vmem>>[vector<16xi32>, vector<16xi32>], vector<16xf32>, vector<16xi1>
    %add3A_347 = arith.constant 96 : i32
    %add3A_348 = vector.broadcast %add3A_347 : i32 to vector<16xi32>
    %add3A_349 = arith.addi %add3A_348, %iota3A : vector<16xi32>
    tpu.vector_store_idx %arg6[%get3A_41, %add3A_349], %broadcast_in_dim3A_28 masked %ge3A_86 : memref<1000x128xf32, #tpu.memory_space<vmem>>[vector<16xi32>, vector<16xi32>], vector<16xf32>, vector<16xi1>
    %add3A_350 = arith.constant 112 : i32
    %add3A_351 = vector.broadcast %add3A_350 : i32 to vector<16xi32>
    %add3A_352 = arith.addi %add3A_351, %iota3A : vector<16xi32>
    tpu.vector_store_idx %arg6[%get3A_43, %add3A_352], %broadcast_in_dim3A_28 masked %ge3A_89 : memref<1000x128xf32, #tpu.memory_space<vmem>>[vector<16xi32>, vector<16xi32>], vector<16xf32>, vector<16xi1>
    %add3A_353 = arith.constant 0 : i32
    %add3A_354 = vector.broadcast %add3A_353 : i32 to vector<16xi32>
    %add3A_355 = arith.addi %add3A_354, %iota3A : vector<16xi32>
    tpu.vector_store_idx %arg6[%get3A_186, %add3A_355], %broadcast_in_dim3A_26 masked %ge3A_227 : memref<1000x128xf32, #tpu.memory_space<vmem>>[vector<16xi32>, vector<16xi32>], vector<16xf32>, vector<16xi1>
    %add3A_356 = arith.constant 16 : i32
    %add3A_357 = vector.broadcast %add3A_356 : i32 to vector<16xi32>
    %add3A_358 = arith.addi %add3A_357, %iota3A : vector<16xi32>
    tpu.vector_store_idx %arg6[%get3A_188, %add3A_358], %broadcast_in_dim3A_26 masked %ge3A_230 : memref<1000x128xf32, #tpu.memory_space<vmem>>[vector<16xi32>, vector<16xi32>], vector<16xf32>, vector<16xi1>
    %add3A_359 = arith.constant 32 : i32
    %add3A_360 = vector.broadcast %add3A_359 : i32 to vector<16xi32>
    %add3A_361 = arith.addi %add3A_360, %iota3A : vector<16xi32>
    tpu.vector_store_idx %arg6[%get3A_190, %add3A_361], %broadcast_in_dim3A_26 masked %ge3A_233 : memref<1000x128xf32, #tpu.memory_space<vmem>>[vector<16xi32>, vector<16xi32>], vector<16xf32>, vector<16xi1>
    %add3A_362 = arith.constant 48 : i32
    %add3A_363 = vector.broadcast %add3A_362 : i32 to vector<16xi32>
    %add3A_364 = arith.addi %add3A_363, %iota3A : vector<16xi32>
    tpu.vector_store_idx %arg6[%get3A_192, %add3A_364], %broadcast_in_dim3A_26 masked %ge3A_236 : memref<1000x128xf32, #tpu.memory_space<vmem>>[vector<16xi32>, vector<16xi32>], vector<16xf32>, vector<16xi1>
    %add3A_365 = arith.constant 64 : i32
    %add3A_366 = vector.broadcast %add3A_365 : i32 to vector<16xi32>
    %add3A_367 = arith.addi %add3A_366, %iota3A : vector<16xi32>
    tpu.vector_store_idx %arg6[%get3A_194, %add3A_367], %broadcast_in_dim3A_26 masked %ge3A_239 : memref<1000x128xf32, #tpu.memory_space<vmem>>[vector<16xi32>, vector<16xi32>], vector<16xf32>, vector<16xi1>
    %add3A_368 = arith.constant 80 : i32
    %add3A_369 = vector.broadcast %add3A_368 : i32 to vector<16xi32>
    %add3A_370 = arith.addi %add3A_369, %iota3A : vector<16xi32>
    tpu.vector_store_idx %arg6[%get3A_196, %add3A_370], %broadcast_in_dim3A_26 masked %ge3A_242 : memref<1000x128xf32, #tpu.memory_space<vmem>>[vector<16xi32>, vector<16xi32>], vector<16xf32>, vector<16xi1>
    %add3A_371 = arith.constant 96 : i32
    %add3A_372 = vector.broadcast %add3A_371 : i32 to vector<16xi32>
    %add3A_373 = arith.addi %add3A_372, %iota3A : vector<16xi32>
    tpu.vector_store_idx %arg6[%get3A_198, %add3A_373], %broadcast_in_dim3A_26 masked %ge3A_245 : memref<1000x128xf32, #tpu.memory_space<vmem>>[vector<16xi32>, vector<16xi32>], vector<16xf32>, vector<16xi1>
    %add3A_374 = arith.constant 112 : i32
    %add3A_375 = vector.broadcast %add3A_374 : i32 to vector<16xi32>
    %add3A_376 = arith.addi %add3A_375, %iota3A : vector<16xi32>
    tpu.vector_store_idx %arg6[%get3A_200, %add3A_376], %broadcast_in_dim3A_26 masked %ge3A_248 : memref<1000x128xf32, #tpu.memory_space<vmem>>[vector<16xi32>, vector<16xi32>], vector<16xf32>, vector<16xi1>
    %add3A_377 = arith.constant 128 : i32
    %add3A_378 = arith.addi %mul3A_2, %add3A_377 : i32
    %dma_start3A_379 = arith.constant 504 : i32
    %dma_start3A_380 = arith.constant 0 : i32
    %dma_start3A_381 = tpu.memref_slice %arg6[%dma_start3A_379, %dma_start3A_380] : memref<1000x128xf32, #tpu.memory_space<vmem>> -> memref<496x128xf32, #tpu.memory_space<vmem>>
    %dma_start3A_382 = arith.constant 504 : i32
    %dma_start3A_383 = tpu.memref_slice %arg4[%dma_start3A_382, %add3A_378] : memref<1000x16384xf32, #tpu.memory_space<hbm>> -> memref<496x128xf32, #tpu.memory_space<hbm>>
    %dma_start3A_384 = arith.constant 504 : i32
    %dma_start3A_385 = tpu.memref_slice %arg4[%dma_start3A_384, %add3A_378] : memref<1000x16384xf32, #tpu.memory_space<hbm>> -> memref<496x128xf32, #tpu.memory_space<hbm>>
    %dma_start3A_386 = arith.constant 504 : i32
    %dma_start3A_387 = arith.constant 0 : i32
    %dma_start3A_388 = tpu.memref_slice %arg6[%dma_start3A_386, %dma_start3A_387] : memref<1000x128xf32, #tpu.memory_space<vmem>> -> memref<496x128xf32, #tpu.memory_space<vmem>>
    tpu.enqueue_dma source(%dma_start3A_388 : memref<496x128xf32, #tpu.memory_space<vmem>>) target(%dma_start3A_385 : memref<496x128xf32, #tpu.memory_space<hbm>>) target_semaphore(%arg8 : memref<!tpu.dma_semaphore, #tpu.memory_space<semaphore_mem>>)
    %get3A_389 = arith.constant 256 : index
    %get3A_390 = tpu.vector_load %arg5[%get3A_389] {strides = array<i32>} : memref<512xi32, #tpu.memory_space<vmem>>, vector<16xi32>,
    %get3A_391 = arith.constant 272 : index
    %get3A_392 = tpu.vector_load %arg5[%get3A_391] {strides = array<i32>} : memref<512xi32, #tpu.memory_space<vmem>>, vector<16xi32>,
    %get3A_393 = arith.constant 288 : index
    %get3A_394 = tpu.vector_load %arg5[%get3A_393] {strides = array<i32>} : memref<512xi32, #tpu.memory_space<vmem>>, vector<16xi32>,
    %get3A_395 = arith.constant 304 : index
    %get3A_396 = tpu.vector_load %arg5[%get3A_395] {strides = array<i32>} : memref<512xi32, #tpu.memory_space<vmem>>, vector<16xi32>,
    %get3A_397 = arith.constant 320 : index
    %get3A_398 = tpu.vector_load %arg5[%get3A_397] {strides = array<i32>} : memref<512xi32, #tpu.memory_space<vmem>>, vector<16xi32>,
    %get3A_399 = arith.constant 336 : index
    %get3A_400 = tpu.vector_load %arg5[%get3A_399] {strides = array<i32>} : memref<512xi32, #tpu.memory_space<vmem>>, vector<16xi32>,
    %get3A_401 = arith.constant 352 : index
    %get3A_402 = tpu.vector_load %arg5[%get3A_401] {strides = array<i32>} : memref<512xi32, #tpu.memory_space<vmem>>, vector<16xi32>,
    %get3A_403 = arith.constant 368 : index
    %get3A_404 = tpu.vector_load %arg5[%get3A_403] {strides = array<i32>} : memref<512xi32, #tpu.memory_space<vmem>>, vector<16xi32>,
    %lt3A_405 = arith.constant 504 : i32
    %lt3A_406 = vector.broadcast %lt3A_405 : i32 to vector<16xi32>
    %lt3A_407 = arith.cmpi slt, %get3A_390, %lt3A_406 : vector<16xi32>
    %lt3A_408 = arith.constant 504 : i32
    %lt3A_409 = vector.broadcast %lt3A_408 : i32 to vector<16xi32>
    %lt3A_410 = arith.cmpi slt, %get3A_392, %lt3A_409 : vector<16xi32>
    %lt3A_411 = arith.constant 504 : i32
    %lt3A_412 = vector.broadcast %lt3A_411 : i32 to vector<16xi32>
    %lt3A_413 = arith.cmpi slt, %get3A_394, %lt3A_412 : vector<16xi32>
    %lt3A_414 = arith.constant 504 : i32
    %lt3A_415 = vector.broadcast %lt3A_414 : i32 to vector<16xi32>
    %lt3A_416 = arith.cmpi slt, %get3A_396, %lt3A_415 : vector<16xi32>
    %lt3A_417 = arith.constant 504 : i32
    %lt3A_418 = vector.broadcast %lt3A_417 : i32 to vector<16xi32>
    %lt3A_419 = arith.cmpi slt, %get3A_398, %lt3A_418 : vector<16xi32>
    %lt3A_420 = arith.constant 504 : i32
    %lt3A_421 = vector.broadcast %lt3A_420 : i32 to vector<16xi32>
    %lt3A_422 = arith.cmpi slt, %get3A_400, %lt3A_421 : vector<16xi32>
    %lt3A_423 = arith.constant 504 : i32
    %lt3A_424 = vector.broadcast %lt3A_423 : i32 to vector<16xi32>
    %lt3A_425 = arith.cmpi slt, %get3A_402, %lt3A_424 : vector<16xi32>
    %lt3A_426 = arith.constant 504 : i32
    %lt3A_427 = vector.broadcast %lt3A_426 : i32 to vector<16xi32>
    %lt3A_428 = arith.cmpi slt, %get3A_404, %lt3A_427 : vector<16xi32>
    %ge3A_429 = arith.constant 504 : i32
    %ge3A_430 = vector.broadcast %ge3A_429 : i32 to vector<16xi32>
    %ge3A_431 = arith.cmpi sge, %get3A_390, %ge3A_430 : vector<16xi32>
    %ge3A_432 = arith.constant 504 : i32
    %ge3A_433 = vector.broadcast %ge3A_432 : i32 to vector<16xi32>
    %ge3A_434 = arith.cmpi sge, %get3A_392, %ge3A_433 : vector<16xi32>
    %ge3A_435 = arith.constant 504 : i32
    %ge3A_436 = vector.broadcast %ge3A_435 : i32 to vector<16xi32>
    %ge3A_437 = arith.cmpi sge, %get3A_394, %ge3A_436 : vector<16xi32>
    %ge3A_438 = arith.constant 504 : i32
    %ge3A_439 = vector.broadcast %ge3A_438 : i32 to vector<16xi32>
    %ge3A_440 = arith.cmpi sge, %get3A_396, %ge3A_439 : vector<16xi32>
    %ge3A_441 = arith.constant 504 : i32
    %ge3A_442 = vector.broadcast %ge3A_441 : i32 to vector<16xi32>
    %ge3A_443 = arith.cmpi sge, %get3A_398, %ge3A_442 : vector<16xi32>
    %ge3A_444 = arith.constant 504 : i32
    %ge3A_445 = vector.broadcast %ge3A_444 : i32 to vector<16xi32>
    %ge3A_446 = arith.cmpi sge, %get3A_400, %ge3A_445 : vector<16xi32>
    %ge3A_447 = arith.constant 504 : i32
    %ge3A_448 = vector.broadcast %ge3A_447 : i32 to vector<16xi32>
    %ge3A_449 = arith.cmpi sge, %get3A_402, %ge3A_448 : vector<16xi32>
    %ge3A_450 = arith.constant 504 : i32
    %ge3A_451 = vector.broadcast %ge3A_450 : i32 to vector<16xi32>
    %ge3A_452 = arith.cmpi sge, %get3A_404, %ge3A_451 : vector<16xi32>
    %dma_wait3A_453 = arith.constant 0 : i32
    %dma_wait3A_454 = arith.constant 0 : i32
    %dma_wait3A_455 = tpu.memref_slice %arg6[%dma_wait3A_453, %dma_wait3A_454] : memref<1000x128xf32, #tpu.memory_space<vmem>> -> memref<504x128xf32, #tpu.memory_space<vmem>>
    %dma_wait3A_456 = arith.constant 0 : i32
    %dma_wait3A_457 = tpu.memref_slice %arg4[%dma_wait3A_456, %add3A_308] : memref<1000x16384xf32, #tpu.memory_space<hbm>> -> memref<504x128xf32, #tpu.memory_space<hbm>>
    %dma_wait3A_458 = arith.constant 0 : i32
    %dma_wait3A_459 = tpu.memref_slice %arg4[%dma_wait3A_458, %add3A_308] : memref<1000x16384xf32, #tpu.memory_space<hbm>> -> memref<504x128xf32, #tpu.memory_space<hbm>>
    %dma_wait3A_460 = arith.constant 0 : i32
    %dma_wait3A_461 = arith.constant 0 : i32
    %dma_wait3A_462 = tpu.memref_slice %arg6[%dma_wait3A_460, %dma_wait3A_461] : memref<1000x128xf32, #tpu.memory_space<vmem>> -> memref<504x128xf32, #tpu.memory_space<vmem>>
    tpu.wait_dma2 semaphore(%arg7 : memref<!tpu.dma_semaphore, #tpu.memory_space<semaphore_mem>>) src(%dma_wait3A_462 : memref<504x128xf32, #tpu.memory_space<vmem>>) dst(%dma_wait3A_459 : memref<504x128xf32, #tpu.memory_space<hbm>>)
    %add3A_463 = arith.constant 0 : i32
    %add3A_464 = vector.broadcast %add3A_463 : i32 to vector<16xi32>
    %add3A_465 = arith.addi %add3A_464, %iota3A : vector<16xi32>
    tpu.vector_store_idx %arg6[%get3A_186, %add3A_465], %broadcast_in_dim3A_28 masked %lt3A_203 : memref<1000x128xf32, #tpu.memory_space<vmem>>[vector<16xi32>, vector<16xi32>], vector<16xf32>, vector<16xi1>
    %add3A_466 = arith.constant 16 : i32
    %add3A_467 = vector.broadcast %add3A_466 : i32 to vector<16xi32>
    %add3A_468 = arith.addi %add3A_467, %iota3A : vector<16xi32>
    tpu.vector_store_idx %arg6[%get3A_188, %add3A_468], %broadcast_in_dim3A_28 masked %lt3A_206 : memref<1000x128xf32, #tpu.memory_space<vmem>>[vector<16xi32>, vector<16xi32>], vector<16xf32>, vector<16xi1>
    %add3A_469 = arith.constant 32 : i32
    %add3A_470 = vector.broadcast %add3A_469 : i32 to vector<16xi32>
    %add3A_471 = arith.addi %add3A_470, %iota3A : vector<16xi32>
    tpu.vector_store_idx %arg6[%get3A_190, %add3A_471], %broadcast_in_dim3A_28 masked %lt3A_209 : memref<1000x128xf32, #tpu.memory_space<vmem>>[vector<16xi32>, vector<16xi32>], vector<16xf32>, vector<16xi1>
    %add3A_472 = arith.constant 48 : i32
    %add3A_473 = vector.broadcast %add3A_472 : i32 to vector<16xi32>
    %add3A_474 = arith.addi %add3A_473, %iota3A : vector<16xi32>
    tpu.vector_store_idx %arg6[%get3A_192, %add3A_474], %broadcast_in_dim3A_28 masked %lt3A_212 : memref<1000x128xf32, #tpu.memory_space<vmem>>[vector<16xi32>, vector<16xi32>], vector<16xf32>, vector<16xi1>
    %add3A_475 = arith.constant 64 : i32
    %add3A_476 = vector.broadcast %add3A_475 : i32 to vector<16xi32>
    %add3A_477 = arith.addi %add3A_476, %iota3A : vector<16xi32>
    tpu.vector_store_idx %arg6[%get3A_194, %add3A_477], %broadcast_in_dim3A_28 masked %lt3A_215 : memref<1000x128xf32, #tpu.memory_space<vmem>>[vector<16xi32>, vector<16xi32>], vector<16xf32>, vector<16xi1>
    %add3A_478 = arith.constant 80 : i32
    %add3A_479 = vector.broadcast %add3A_478 : i32 to vector<16xi32>
    %add3A_480 = arith.addi %add3A_479, %iota3A : vector<16xi32>
    tpu.vector_store_idx %arg6[%get3A_196, %add3A_480], %broadcast_in_dim3A_28 masked %lt3A_218 : memref<1000x128xf32, #tpu.memory_space<vmem>>[vector<16xi32>, vector<16xi32>], vector<16xf32>, vector<16xi1>
    %add3A_481 = arith.constant 96 : i32
    %add3A_482 = vector.broadcast %add3A_481 : i32 to vector<16xi32>
    %add3A_483 = arith.addi %add3A_482, %iota3A : vector<16xi32>
    tpu.vector_store_idx %arg6[%get3A_198, %add3A_483], %broadcast_in_dim3A_28 masked %lt3A_221 : memref<1000x128xf32, #tpu.memory_space<vmem>>[vector<16xi32>, vector<16xi32>], vector<16xf32>, vector<16xi1>
    %add3A_484 = arith.constant 112 : i32
    %add3A_485 = vector.broadcast %add3A_484 : i32 to vector<16xi32>
    %add3A_486 = arith.addi %add3A_485, %iota3A : vector<16xi32>
    tpu.vector_store_idx %arg6[%get3A_200, %add3A_486], %broadcast_in_dim3A_28 masked %lt3A_224 : memref<1000x128xf32, #tpu.memory_space<vmem>>[vector<16xi32>, vector<16xi32>], vector<16xf32>, vector<16xi1>
    %add3A_487 = arith.constant 0 : i32
    %add3A_488 = vector.broadcast %add3A_487 : i32 to vector<16xi32>
    %add3A_489 = arith.addi %add3A_488, %iota3A : vector<16xi32>
    tpu.vector_store_idx %arg6[%get3A_390, %add3A_489], %broadcast_in_dim3A_26 masked %lt3A_407 : memref<1000x128xf32, #tpu.memory_space<vmem>>[vector<16xi32>, vector<16xi32>], vector<16xf32>, vector<16xi1>
    %add3A_490 = arith.constant 16 : i32
    %add3A_491 = vector.broadcast %add3A_490 : i32 to vector<16xi32>
    %add3A_492 = arith.addi %add3A_491, %iota3A : vector<16xi32>
    tpu.vector_store_idx %arg6[%get3A_392, %add3A_492], %broadcast_in_dim3A_26 masked %lt3A_410 : memref<1000x128xf32, #tpu.memory_space<vmem>>[vector<16xi32>, vector<16xi32>], vector<16xf32>, vector<16xi1>
    %add3A_493 = arith.constant 32 : i32
    %add3A_494 = vector.broadcast %add3A_493 : i32 to vector<16xi32>
    %add3A_495 = arith.addi %add3A_494, %iota3A : vector<16xi32>
    tpu.vector_store_idx %arg6[%get3A_394, %add3A_495], %broadcast_in_dim3A_26 masked %lt3A_413 : memref<1000x128xf32, #tpu.memory_space<vmem>>[vector<16xi32>, vector<16xi32>], vector<16xf32>, vector<16xi1>
    %add3A_496 = arith.constant 48 : i32
    %add3A_497 = vector.broadcast %add3A_496 : i32 to vector<16xi32>
    %add3A_498 = arith.addi %add3A_497, %iota3A : vector<16xi32>
    tpu.vector_store_idx %arg6[%get3A_396, %add3A_498], %broadcast_in_dim3A_26 masked %lt3A_416 : memref<1000x128xf32, #tpu.memory_space<vmem>>[vector<16xi32>, vector<16xi32>], vector<16xf32>, vector<16xi1>
    %add3A_499 = arith.constant 64 : i32
    %add3A_500 = vector.broadcast %add3A_499 : i32 to vector<16xi32>
    %add3A_501 = arith.addi %add3A_500, %iota3A : vector<16xi32>
    tpu.vector_store_idx %arg6[%get3A_398, %add3A_501], %broadcast_in_dim3A_26 masked %lt3A_419 : memref<1000x128xf32, #tpu.memory_space<vmem>>[vector<16xi32>, vector<16xi32>], vector<16xf32>, vector<16xi1>
    %add3A_502 = arith.constant 80 : i32
    %add3A_503 = vector.broadcast %add3A_502 : i32 to vector<16xi32>
    %add3A_504 = arith.addi %add3A_503, %iota3A : vector<16xi32>
    tpu.vector_store_idx %arg6[%get3A_400, %add3A_504], %broadcast_in_dim3A_26 masked %lt3A_422 : memref<1000x128xf32, #tpu.memory_space<vmem>>[vector<16xi32>, vector<16xi32>], vector<16xf32>, vector<16xi1>
    %add3A_505 = arith.constant 96 : i32
    %add3A_506 = vector.broadcast %add3A_505 : i32 to vector<16xi32>
    %add3A_507 = arith.addi %add3A_506, %iota3A : vector<16xi32>
    tpu.vector_store_idx %arg6[%get3A_402, %add3A_507], %broadcast_in_dim3A_26 masked %lt3A_425 : memref<1000x128xf32, #tpu.memory_space<vmem>>[vector<16xi32>, vector<16xi32>], vector<16xf32>, vector<16xi1>
    %add3A_508 = arith.constant 112 : i32
    %add3A_509 = vector.broadcast %add3A_508 : i32 to vector<16xi32>
    %add3A_510 = arith.addi %add3A_509, %iota3A : vector<16xi32>
    tpu.vector_store_idx %arg6[%get3A_404, %add3A_510], %broadcast_in_dim3A_26 masked %lt3A_428 : memref<1000x128xf32, #tpu.memory_space<vmem>>[vector<16xi32>, vector<16xi32>], vector<16xf32>, vector<16xi1>
    %add3A_511 = arith.constant 256 : i32
    %add3A_512 = arith.addi %mul3A_2, %add3A_511 : i32
    %dma_start3A_513 = arith.constant 0 : i32
    %dma_start3A_514 = arith.constant 0 : i32
    %dma_start3A_515 = tpu.memref_slice %arg6[%dma_start3A_513, %dma_start3A_514] : memref<1000x128xf32, #tpu.memory_space<vmem>> -> memref<504x128xf32, #tpu.memory_space<vmem>>
    %dma_start3A_516 = arith.constant 0 : i32
    %dma_start3A_517 = tpu.memref_slice %arg4[%dma_start3A_516, %add3A_512] : memref<1000x16384xf32, #tpu.memory_space<hbm>> -> memref<504x128xf32, #tpu.memory_space<hbm>>
    %dma_start3A_518 = arith.constant 0 : i32
    %dma_start3A_519 = tpu.memref_slice %arg4[%dma_start3A_518, %add3A_512] : memref<1000x16384xf32, #tpu.memory_space<hbm>> -> memref<504x128xf32, #tpu.memory_space<hbm>>
    %dma_start3A_520 = arith.constant 0 : i32
    %dma_start3A_521 = arith.constant 0 : i32
    %dma_start3A_522 = tpu.memref_slice %arg6[%dma_start3A_520, %dma_start3A_521] : memref<1000x128xf32, #tpu.memory_space<vmem>> -> memref<504x128xf32, #tpu.memory_space<vmem>>
    tpu.enqueue_dma source(%dma_start3A_522 : memref<504x128xf32, #tpu.memory_space<vmem>>) target(%dma_start3A_519 : memref<504x128xf32, #tpu.memory_space<hbm>>) target_semaphore(%arg7 : memref<!tpu.dma_semaphore, #tpu.memory_space<semaphore_mem>>)
    %dma_wait3A_523 = arith.constant 504 : i32
    %dma_wait3A_524 = arith.constant 0 : i32
    %dma_wait3A_525 = tpu.memref_slice %arg6[%dma_wait3A_523, %dma_wait3A_524] : memref<1000x128xf32, #tpu.memory_space<vmem>> -> memref<496x128xf32, #tpu.memory_space<vmem>>
    %dma_wait3A_526 = arith.constant 504 : i32
    %dma_wait3A_527 = tpu.memref_slice %arg4[%dma_wait3A_526, %add3A_378] : memref<1000x16384xf32, #tpu.memory_space<hbm>> -> memref<496x128xf32, #tpu.memory_space<hbm>>
    %dma_wait3A_528 = arith.constant 504 : i32
    %dma_wait3A_529 = tpu.memref_slice %arg4[%dma_wait3A_528, %add3A_378] : memref<1000x16384xf32, #tpu.memory_space<hbm>> -> memref<496x128xf32, #tpu.memory_space<hbm>>
    %dma_wait3A_530 = arith.constant 504 : i32
    %dma_wait3A_531 = arith.constant 0 : i32
    %dma_wait3A_532 = tpu.memref_slice %arg6[%dma_wait3A_530, %dma_wait3A_531] : memref<1000x128xf32, #tpu.memory_space<vmem>> -> memref<496x128xf32, #tpu.memory_space<vmem>>
    tpu.wait_dma2 semaphore(%arg8 : memref<!tpu.dma_semaphore, #tpu.memory_space<semaphore_mem>>) src(%dma_wait3A_532 : memref<496x128xf32, #tpu.memory_space<vmem>>) dst(%dma_wait3A_529 : memref<496x128xf32, #tpu.memory_space<hbm>>)
    %add3A_533 = arith.constant 0 : i32
    %add3A_534 = vector.broadcast %add3A_533 : i32 to vector<16xi32>
    %add3A_535 = arith.addi %add3A_534, %iota3A : vector<16xi32>
    tpu.vector_store_idx %arg6[%get3A_186, %add3A_535], %broadcast_in_dim3A_28 masked %ge3A_227 : memref<1000x128xf32, #tpu.memory_space<vmem>>[vector<16xi32>, vector<16xi32>], vector<16xf32>, vector<16xi1>
    %add3A_536 = arith.constant 16 : i32
    %add3A_537 = vector.broadcast %add3A_536 : i32 to vector<16xi32>
    %add3A_538 = arith.addi %add3A_537, %iota3A : vector<16xi32>
    tpu.vector_store_idx %arg6[%get3A_188, %add3A_538], %broadcast_in_dim3A_28 masked %ge3A_230 : memref<1000x128xf32, #tpu.memory_space<vmem>>[vector<16xi32>, vector<16xi32>], vector<16xf32>, vector<16xi1>
    %add3A_539 = arith.constant 32 : i32
    %add3A_540 = vector.broadcast %add3A_539 : i32 to vector<16xi32>
    %add3A_541 = arith.addi %add3A_540, %iota3A : vector<16xi32>
    tpu.vector_store_idx %arg6[%get3A_190, %add3A_541], %broadcast_in_dim3A_28 masked %ge3A_233 : memref<1000x128xf32, #tpu.memory_space<vmem>>[vector<16xi32>, vector<16xi32>], vector<16xf32>, vector<16xi1>
    %add3A_542 = arith.constant 48 : i32
    %add3A_543 = vector.broadcast %add3A_542 : i32 to vector<16xi32>
    %add3A_544 = arith.addi %add3A_543, %iota3A : vector<16xi32>
    tpu.vector_store_idx %arg6[%get3A_192, %add3A_544], %broadcast_in_dim3A_28 masked %ge3A_236 : memref<1000x128xf32, #tpu.memory_space<vmem>>[vector<16xi32>, vector<16xi32>], vector<16xf32>, vector<16xi1>
    %add3A_545 = arith.constant 64 : i32
    %add3A_546 = vector.broadcast %add3A_545 : i32 to vector<16xi32>
    %add3A_547 = arith.addi %add3A_546, %iota3A : vector<16xi32>
    tpu.vector_store_idx %arg6[%get3A_194, %add3A_547], %broadcast_in_dim3A_28 masked %ge3A_239 : memref<1000x128xf32, #tpu.memory_space<vmem>>[vector<16xi32>, vector<16xi32>], vector<16xf32>, vector<16xi1>
    %add3A_548 = arith.constant 80 : i32
    %add3A_549 = vector.broadcast %add3A_548 : i32 to vector<16xi32>
    %add3A_550 = arith.addi %add3A_549, %iota3A : vector<16xi32>
    tpu.vector_store_idx %arg6[%get3A_196, %add3A_550], %broadcast_in_dim3A_28 masked %ge3A_242 : memref<1000x128xf32, #tpu.memory_space<vmem>>[vector<16xi32>, vector<16xi32>], vector<16xf32>, vector<16xi1>
    %add3A_551 = arith.constant 96 : i32
    %add3A_552 = vector.broadcast %add3A_551 : i32 to vector<16xi32>
    %add3A_553 = arith.addi %add3A_552, %iota3A : vector<16xi32>
    tpu.vector_store_idx %arg6[%get3A_198, %add3A_553], %broadcast_in_dim3A_28 masked %ge3A_245 : memref<1000x128xf32, #tpu.memory_space<vmem>>[vector<16xi32>, vector<16xi32>], vector<16xf32>, vector<16xi1>
    %add3A_554 = arith.constant 112 : i32
    %add3A_555 = vector.broadcast %add3A_554 : i32 to vector<16xi32>
    %add3A_556 = arith.addi %add3A_555, %iota3A : vector<16xi32>
    tpu.vector_store_idx %arg6[%get3A_200, %add3A_556], %broadcast_in_dim3A_28 masked %ge3A_248 : memref<1000x128xf32, #tpu.memory_space<vmem>>[vector<16xi32>, vector<16xi32>], vector<16xf32>, vector<16xi1>
    %add3A_557 = arith.constant 0 : i32
    %add3A_558 = vector.broadcast %add3A_557 : i32 to vector<16xi32>
    %add3A_559 = arith.addi %add3A_558, %iota3A : vector<16xi32>
    tpu.vector_store_idx %arg6[%get3A_390, %add3A_559], %broadcast_in_dim3A_26 masked %ge3A_431 : memref<1000x128xf32, #tpu.memory_space<vmem>>[vector<16xi32>, vector<16xi32>], vector<16xf32>, vector<16xi1>
    %add3A_560 = arith.constant 16 : i32
    %add3A_561 = vector.broadcast %add3A_560 : i32 to vector<16xi32>
    %add3A_562 = arith.addi %add3A_561, %iota3A : vector<16xi32>
    tpu.vector_store_idx %arg6[%get3A_392, %add3A_562], %broadcast_in_dim3A_26 masked %ge3A_434 : memref<1000x128xf32, #tpu.memory_space<vmem>>[vector<16xi32>, vector<16xi32>], vector<16xf32>, vector<16xi1>
    %add3A_563 = arith.constant 32 : i32
    %add3A_564 = vector.broadcast %add3A_563 : i32 to vector<16xi32>
    %add3A_565 = arith.addi %add3A_564, %iota3A : vector<16xi32>
    tpu.vector_store_idx %arg6[%get3A_394, %add3A_565], %broadcast_in_dim3A_26 masked %ge3A_437 : memref<1000x128xf32, #tpu.memory_space<vmem>>[vector<16xi32>, vector<16xi32>], vector<16xf32>, vector<16xi1>
    %add3A_566 = arith.constant 48 : i32
    %add3A_567 = vector.broadcast %add3A_566 : i32 to vector<16xi32>
    %add3A_568 = arith.addi %add3A_567, %iota3A : vector<16xi32>
    tpu.vector_store_idx %arg6[%get3A_396, %add3A_568], %broadcast_in_dim3A_26 masked %ge3A_440 : memref<1000x128xf32, #tpu.memory_space<vmem>>[vector<16xi32>, vector<16xi32>], vector<16xf32>, vector<16xi1>
    %add3A_569 = arith.constant 64 : i32
    %add3A_570 = vector.broadcast %add3A_569 : i32 to vector<16xi32>
    %add3A_571 = arith.addi %add3A_570, %iota3A : vector<16xi32>
    tpu.vector_store_idx %arg6[%get3A_398, %add3A_571], %broadcast_in_dim3A_26 masked %ge3A_443 : memref<1000x128xf32, #tpu.memory_space<vmem>>[vector<16xi32>, vector<16xi32>], vector<16xf32>, vector<16xi1>
    %add3A_572 = arith.constant 80 : i32
    %add3A_573 = vector.broadcast %add3A_572 : i32 to vector<16xi32>
    %add3A_574 = arith.addi %add3A_573, %iota3A : vector<16xi32>
    tpu.vector_store_idx %arg6[%get3A_400, %add3A_574], %broadcast_in_dim3A_26 masked %ge3A_446 : memref<1000x128xf32, #tpu.memory_space<vmem>>[vector<16xi32>, vector<16xi32>], vector<16xf32>, vector<16xi1>
    %add3A_575 = arith.constant 96 : i32
    %add3A_576 = vector.broadcast %add3A_575 : i32 to vector<16xi32>
    %add3A_577 = arith.addi %add3A_576, %iota3A : vector<16xi32>
    tpu.vector_store_idx %arg6[%get3A_402, %add3A_577], %broadcast_in_dim3A_26 masked %ge3A_449 : memref<1000x128xf32, #tpu.memory_space<vmem>>[vector<16xi32>, vector<16xi32>], vector<16xf32>, vector<16xi1>
    %add3A_578 = arith.constant 112 : i32
    %add3A_579 = vector.broadcast %add3A_578 : i32 to vector<16xi32>
    %add3A_580 = arith.addi %add3A_579, %iota3A : vector<16xi32>
    tpu.vector_store_idx %arg6[%get3A_404, %add3A_580], %broadcast_in_dim3A_26 masked %ge3A_452 : memref<1000x128xf32, #tpu.memory_space<vmem>>[vector<16xi32>, vector<16xi32>], vector<16xf32>, vector<16xi1>
    %add3A_581 = arith.constant 256 : i32
    %add3A_582 = arith.addi %mul3A_2, %add3A_581 : i32
    %dma_start3A_583 = arith.constant 504 : i32
    %dma_start3A_584 = arith.constant 0 : i32
    %dma_start3A_585 = tpu.memref_slice %arg6[%dma_start3A_583, %dma_start3A_584] : memref<1000x128xf32, #tpu.memory_space<vmem>> -> memref<496x128xf32, #tpu.memory_space<vmem>>
    %dma_start3A_586 = arith.constant 504 : i32
    %dma_start3A_587 = tpu.memref_slice %arg4[%dma_start3A_586, %add3A_582] : memref<1000x16384xf32, #tpu.memory_space<hbm>> -> memref<496x128xf32, #tpu.memory_space<hbm>>
    %dma_start3A_588 = arith.constant 504 : i32
    %dma_start3A_589 = tpu.memref_slice %arg4[%dma_start3A_588, %add3A_582] : memref<1000x16384xf32, #tpu.memory_space<hbm>> -> memref<496x128xf32, #tpu.memory_space<hbm>>
    %dma_start3A_590 = arith.constant 504 : i32
    %dma_start3A_591 = arith.constant 0 : i32
    %dma_start3A_592 = tpu.memref_slice %arg6[%dma_start3A_590, %dma_start3A_591] : memref<1000x128xf32, #tpu.memory_space<vmem>> -> memref<496x128xf32, #tpu.memory_space<vmem>>
    tpu.enqueue_dma source(%dma_start3A_592 : memref<496x128xf32, #tpu.memory_space<vmem>>) target(%dma_start3A_589 : memref<496x128xf32, #tpu.memory_space<hbm>>) target_semaphore(%arg8 : memref<!tpu.dma_semaphore, #tpu.memory_space<semaphore_mem>>)
    %get3A_593 = arith.constant 384 : index
    %get3A_594 = tpu.vector_load %arg5[%get3A_593] {strides = array<i32>} : memref<512xi32, #tpu.memory_space<vmem>>, vector<16xi32>,
    %get3A_595 = arith.constant 400 : index
    %get3A_596 = tpu.vector_load %arg5[%get3A_595] {strides = array<i32>} : memref<512xi32, #tpu.memory_space<vmem>>, vector<16xi32>,
    %get3A_597 = arith.constant 416 : index
    %get3A_598 = tpu.vector_load %arg5[%get3A_597] {strides = array<i32>} : memref<512xi32, #tpu.memory_space<vmem>>, vector<16xi32>,
    %get3A_599 = arith.constant 432 : index
    %get3A_600 = tpu.vector_load %arg5[%get3A_599] {strides = array<i32>} : memref<512xi32, #tpu.memory_space<vmem>>, vector<16xi32>,
    %get3A_601 = arith.constant 448 : index
    %get3A_602 = tpu.vector_load %arg5[%get3A_601] {strides = array<i32>} : memref<512xi32, #tpu.memory_space<vmem>>, vector<16xi32>,
    %get3A_603 = arith.constant 464 : index
    %get3A_604 = tpu.vector_load %arg5[%get3A_603] {strides = array<i32>} : memref<512xi32, #tpu.memory_space<vmem>>, vector<16xi32>,
    %get3A_605 = arith.constant 480 : index
    %get3A_606 = tpu.vector_load %arg5[%get3A_605] {strides = array<i32>} : memref<512xi32, #tpu.memory_space<vmem>>, vector<16xi32>,
    %get3A_607 = arith.constant 496 : index
    %get3A_608 = tpu.vector_load %arg5[%get3A_607] {strides = array<i32>} : memref<512xi32, #tpu.memory_space<vmem>>, vector<16xi32>,
    %lt3A_609 = arith.constant 504 : i32
    %lt3A_610 = vector.broadcast %lt3A_609 : i32 to vector<16xi32>
    %lt3A_611 = arith.cmpi slt, %get3A_594, %lt3A_610 : vector<16xi32>
    %lt3A_612 = arith.constant 504 : i32
    %lt3A_613 = vector.broadcast %lt3A_612 : i32 to vector<16xi32>
    %lt3A_614 = arith.cmpi slt, %get3A_596, %lt3A_613 : vector<16xi32>
    %lt3A_615 = arith.constant 504 : i32
    %lt3A_616 = vector.broadcast %lt3A_615 : i32 to vector<16xi32>
    %lt3A_617 = arith.cmpi slt, %get3A_598, %lt3A_616 : vector<16xi32>
    %lt3A_618 = arith.constant 504 : i32
    %lt3A_619 = vector.broadcast %lt3A_618 : i32 to vector<16xi32>
    %lt3A_620 = arith.cmpi slt, %get3A_600, %lt3A_619 : vector<16xi32>
    %lt3A_621 = arith.constant 504 : i32
    %lt3A_622 = vector.broadcast %lt3A_621 : i32 to vector<16xi32>
    %lt3A_623 = arith.cmpi slt, %get3A_602, %lt3A_622 : vector<16xi32>
    %lt3A_624 = arith.constant 504 : i32
    %lt3A_625 = vector.broadcast %lt3A_624 : i32 to vector<16xi32>
    %lt3A_626 = arith.cmpi slt, %get3A_604, %lt3A_625 : vector<16xi32>
    %lt3A_627 = arith.constant 504 : i32
    %lt3A_628 = vector.broadcast %lt3A_627 : i32 to vector<16xi32>
    %lt3A_629 = arith.cmpi slt, %get3A_606, %lt3A_628 : vector<16xi32>
    %lt3A_630 = arith.constant 504 : i32
    %lt3A_631 = vector.broadcast %lt3A_630 : i32 to vector<16xi32>
    %lt3A_632 = arith.cmpi slt, %get3A_608, %lt3A_631 : vector<16xi32>
    %ge3A_633 = arith.constant 504 : i32
    %ge3A_634 = vector.broadcast %ge3A_633 : i32 to vector<16xi32>
    %ge3A_635 = arith.cmpi sge, %get3A_594, %ge3A_634 : vector<16xi32>
    %ge3A_636 = arith.constant 504 : i32
    %ge3A_637 = vector.broadcast %ge3A_636 : i32 to vector<16xi32>
    %ge3A_638 = arith.cmpi sge, %get3A_596, %ge3A_637 : vector<16xi32>
    %ge3A_639 = arith.constant 504 : i32
    %ge3A_640 = vector.broadcast %ge3A_639 : i32 to vector<16xi32>
    %ge3A_641 = arith.cmpi sge, %get3A_598, %ge3A_640 : vector<16xi32>
    %ge3A_642 = arith.constant 504 : i32
    %ge3A_643 = vector.broadcast %ge3A_642 : i32 to vector<16xi32>
    %ge3A_644 = arith.cmpi sge, %get3A_600, %ge3A_643 : vector<16xi32>
    %ge3A_645 = arith.constant 504 : i32
    %ge3A_646 = vector.broadcast %ge3A_645 : i32 to vector<16xi32>
    %ge3A_647 = arith.cmpi sge, %get3A_602, %ge3A_646 : vector<16xi32>
    %ge3A_648 = arith.constant 504 : i32
    %ge3A_649 = vector.broadcast %ge3A_648 : i32 to vector<16xi32>
    %ge3A_650 = arith.cmpi sge, %get3A_604, %ge3A_649 : vector<16xi32>
    %ge3A_651 = arith.constant 504 : i32
    %ge3A_652 = vector.broadcast %ge3A_651 : i32 to vector<16xi32>
    %ge3A_653 = arith.cmpi sge, %get3A_606, %ge3A_652 : vector<16xi32>
    %ge3A_654 = arith.constant 504 : i32
    %ge3A_655 = vector.broadcast %ge3A_654 : i32 to vector<16xi32>
    %ge3A_656 = arith.cmpi sge, %get3A_608, %ge3A_655 : vector<16xi32>
    %dma_wait3A_657 = arith.constant 0 : i32
    %dma_wait3A_658 = arith.constant 0 : i32
    %dma_wait3A_659 = tpu.memref_slice %arg6[%dma_wait3A_657, %dma_wait3A_658] : memref<1000x128xf32, #tpu.memory_space<vmem>> -> memref<504x128xf32, #tpu.memory_space<vmem>>
    %dma_wait3A_660 = arith.constant 0 : i32
    %dma_wait3A_661 = tpu.memref_slice %arg4[%dma_wait3A_660, %add3A_512] : memref<1000x16384xf32, #tpu.memory_space<hbm>> -> memref<504x128xf32, #tpu.memory_space<hbm>>
    %dma_wait3A_662 = arith.constant 0 : i32
    %dma_wait3A_663 = tpu.memref_slice %arg4[%dma_wait3A_662, %add3A_512] : memref<1000x16384xf32, #tpu.memory_space<hbm>> -> memref<504x128xf32, #tpu.memory_space<hbm>>
    %dma_wait3A_664 = arith.constant 0 : i32
    %dma_wait3A_665 = arith.constant 0 : i32
    %dma_wait3A_666 = tpu.memref_slice %arg6[%dma_wait3A_664, %dma_wait3A_665] : memref<1000x128xf32, #tpu.memory_space<vmem>> -> memref<504x128xf32, #tpu.memory_space<vmem>>
    tpu.wait_dma2 semaphore(%arg7 : memref<!tpu.dma_semaphore, #tpu.memory_space<semaphore_mem>>) src(%dma_wait3A_666 : memref<504x128xf32, #tpu.memory_space<vmem>>) dst(%dma_wait3A_663 : memref<504x128xf32, #tpu.memory_space<hbm>>)
    %add3A_667 = arith.constant 0 : i32
    %add3A_668 = vector.broadcast %add3A_667 : i32 to vector<16xi32>
    %add3A_669 = arith.addi %add3A_668, %iota3A : vector<16xi32>
    tpu.vector_store_idx %arg6[%get3A_390, %add3A_669], %broadcast_in_dim3A_28 masked %lt3A_407 : memref<1000x128xf32, #tpu.memory_space<vmem>>[vector<16xi32>, vector<16xi32>], vector<16xf32>, vector<16xi1>
    %add3A_670 = arith.constant 16 : i32
    %add3A_671 = vector.broadcast %add3A_670 : i32 to vector<16xi32>
    %add3A_672 = arith.addi %add3A_671, %iota3A : vector<16xi32>
    tpu.vector_store_idx %arg6[%get3A_392, %add3A_672], %broadcast_in_dim3A_28 masked %lt3A_410 : memref<1000x128xf32, #tpu.memory_space<vmem>>[vector<16xi32>, vector<16xi32>], vector<16xf32>, vector<16xi1>
    %add3A_673 = arith.constant 32 : i32
    %add3A_674 = vector.broadcast %add3A_673 : i32 to vector<16xi32>
    %add3A_675 = arith.addi %add3A_674, %iota3A : vector<16xi32>
    tpu.vector_store_idx %arg6[%get3A_394, %add3A_675], %broadcast_in_dim3A_28 masked %lt3A_413 : memref<1000x128xf32, #tpu.memory_space<vmem>>[vector<16xi32>, vector<16xi32>], vector<16xf32>, vector<16xi1>
    %add3A_676 = arith.constant 48 : i32
    %add3A_677 = vector.broadcast %add3A_676 : i32 to vector<16xi32>
    %add3A_678 = arith.addi %add3A_677, %iota3A : vector<16xi32>
    tpu.vector_store_idx %arg6[%get3A_396, %add3A_678], %broadcast_in_dim3A_28 masked %lt3A_416 : memref<1000x128xf32, #tpu.memory_space<vmem>>[vector<16xi32>, vector<16xi32>], vector<16xf32>, vector<16xi1>
    %add3A_679 = arith.constant 64 : i32
    %add3A_680 = vector.broadcast %add3A_679 : i32 to vector<16xi32>
    %add3A_681 = arith.addi %add3A_680, %iota3A : vector<16xi32>
    tpu.vector_store_idx %arg6[%get3A_398, %add3A_681], %broadcast_in_dim3A_28 masked %lt3A_419 : memref<1000x128xf32, #tpu.memory_space<vmem>>[vector<16xi32>, vector<16xi32>], vector<16xf32>, vector<16xi1>
    %add3A_682 = arith.constant 80 : i32
    %add3A_683 = vector.broadcast %add3A_682 : i32 to vector<16xi32>
    %add3A_684 = arith.addi %add3A_683, %iota3A : vector<16xi32>
    tpu.vector_store_idx %arg6[%get3A_400, %add3A_684], %broadcast_in_dim3A_28 masked %lt3A_422 : memref<1000x128xf32, #tpu.memory_space<vmem>>[vector<16xi32>, vector<16xi32>], vector<16xf32>, vector<16xi1>
    %add3A_685 = arith.constant 96 : i32
    %add3A_686 = vector.broadcast %add3A_685 : i32 to vector<16xi32>
    %add3A_687 = arith.addi %add3A_686, %iota3A : vector<16xi32>
    tpu.vector_store_idx %arg6[%get3A_402, %add3A_687], %broadcast_in_dim3A_28 masked %lt3A_425 : memref<1000x128xf32, #tpu.memory_space<vmem>>[vector<16xi32>, vector<16xi32>], vector<16xf32>, vector<16xi1>
    %add3A_688 = arith.constant 112 : i32
    %add3A_689 = vector.broadcast %add3A_688 : i32 to vector<16xi32>
    %add3A_690 = arith.addi %add3A_689, %iota3A : vector<16xi32>
    tpu.vector_store_idx %arg6[%get3A_404, %add3A_690], %broadcast_in_dim3A_28 masked %lt3A_428 : memref<1000x128xf32, #tpu.memory_space<vmem>>[vector<16xi32>, vector<16xi32>], vector<16xf32>, vector<16xi1>
    %add3A_691 = arith.constant 0 : i32
    %add3A_692 = vector.broadcast %add3A_691 : i32 to vector<16xi32>
    %add3A_693 = arith.addi %add3A_692, %iota3A : vector<16xi32>
    tpu.vector_store_idx %arg6[%get3A_594, %add3A_693], %broadcast_in_dim3A_26 masked %lt3A_611 : memref<1000x128xf32, #tpu.memory_space<vmem>>[vector<16xi32>, vector<16xi32>], vector<16xf32>, vector<16xi1>
    %add3A_694 = arith.constant 16 : i32
    %add3A_695 = vector.broadcast %add3A_694 : i32 to vector<16xi32>
    %add3A_696 = arith.addi %add3A_695, %iota3A : vector<16xi32>
    tpu.vector_store_idx %arg6[%get3A_596, %add3A_696], %broadcast_in_dim3A_26 masked %lt3A_614 : memref<1000x128xf32, #tpu.memory_space<vmem>>[vector<16xi32>, vector<16xi32>], vector<16xf32>, vector<16xi1>
    %add3A_697 = arith.constant 32 : i32
    %add3A_698 = vector.broadcast %add3A_697 : i32 to vector<16xi32>
    %add3A_699 = arith.addi %add3A_698, %iota3A : vector<16xi32>
    tpu.vector_store_idx %arg6[%get3A_598, %add3A_699], %broadcast_in_dim3A_26 masked %lt3A_617 : memref<1000x128xf32, #tpu.memory_space<vmem>>[vector<16xi32>, vector<16xi32>], vector<16xf32>, vector<16xi1>
    %add3A_700 = arith.constant 48 : i32
    %add3A_701 = vector.broadcast %add3A_700 : i32 to vector<16xi32>
    %add3A_702 = arith.addi %add3A_701, %iota3A : vector<16xi32>
    tpu.vector_store_idx %arg6[%get3A_600, %add3A_702], %broadcast_in_dim3A_26 masked %lt3A_620 : memref<1000x128xf32, #tpu.memory_space<vmem>>[vector<16xi32>, vector<16xi32>], vector<16xf32>, vector<16xi1>
    %add3A_703 = arith.constant 64 : i32
    %add3A_704 = vector.broadcast %add3A_703 : i32 to vector<16xi32>
    %add3A_705 = arith.addi %add3A_704, %iota3A : vector<16xi32>
    tpu.vector_store_idx %arg6[%get3A_602, %add3A_705], %broadcast_in_dim3A_26 masked %lt3A_623 : memref<1000x128xf32, #tpu.memory_space<vmem>>[vector<16xi32>, vector<16xi32>], vector<16xf32>, vector<16xi1>
    %add3A_706 = arith.constant 80 : i32
    %add3A_707 = vector.broadcast %add3A_706 : i32 to vector<16xi32>
    %add3A_708 = arith.addi %add3A_707, %iota3A : vector<16xi32>
    tpu.vector_store_idx %arg6[%get3A_604, %add3A_708], %broadcast_in_dim3A_26 masked %lt3A_626 : memref<1000x128xf32, #tpu.memory_space<vmem>>[vector<16xi32>, vector<16xi32>], vector<16xf32>, vector<16xi1>
    %add3A_709 = arith.constant 96 : i32
    %add3A_710 = vector.broadcast %add3A_709 : i32 to vector<16xi32>
    %add3A_711 = arith.addi %add3A_710, %iota3A : vector<16xi32>
    tpu.vector_store_idx %arg6[%get3A_606, %add3A_711], %broadcast_in_dim3A_26 masked %lt3A_629 : memref<1000x128xf32, #tpu.memory_space<vmem>>[vector<16xi32>, vector<16xi32>], vector<16xf32>, vector<16xi1>
    %add3A_712 = arith.constant 112 : i32
    %add3A_713 = vector.broadcast %add3A_712 : i32 to vector<16xi32>
    %add3A_714 = arith.addi %add3A_713, %iota3A : vector<16xi32>
    tpu.vector_store_idx %arg6[%get3A_608, %add3A_714], %broadcast_in_dim3A_26 masked %lt3A_632 : memref<1000x128xf32, #tpu.memory_space<vmem>>[vector<16xi32>, vector<16xi32>], vector<16xf32>, vector<16xi1>
    %add3A_715 = arith.constant 384 : i32
    %add3A_716 = arith.addi %mul3A_2, %add3A_715 : i32
    %dma_start3A_717 = arith.constant 0 : i32
    %dma_start3A_718 = arith.constant 0 : i32
    %dma_start3A_719 = tpu.memref_slice %arg6[%dma_start3A_717, %dma_start3A_718] : memref<1000x128xf32, #tpu.memory_space<vmem>> -> memref<504x128xf32, #tpu.memory_space<vmem>>
    %dma_start3A_720 = arith.constant 0 : i32
    %dma_start3A_721 = tpu.memref_slice %arg4[%dma_start3A_720, %add3A_716] : memref<1000x16384xf32, #tpu.memory_space<hbm>> -> memref<504x128xf32, #tpu.memory_space<hbm>>
    %dma_start3A_722 = arith.constant 0 : i32
    %dma_start3A_723 = tpu.memref_slice %arg4[%dma_start3A_722, %add3A_716] : memref<1000x16384xf32, #tpu.memory_space<hbm>> -> memref<504x128xf32, #tpu.memory_space<hbm>>
    %dma_start3A_724 = arith.constant 0 : i32
    %dma_start3A_725 = arith.constant 0 : i32
    %dma_start3A_726 = tpu.memref_slice %arg6[%dma_start3A_724, %dma_start3A_725] : memref<1000x128xf32, #tpu.memory_space<vmem>> -> memref<504x128xf32, #tpu.memory_space<vmem>>
    tpu.enqueue_dma source(%dma_start3A_726 : memref<504x128xf32, #tpu.memory_space<vmem>>) target(%dma_start3A_723 : memref<504x128xf32, #tpu.memory_space<hbm>>) target_semaphore(%arg7 : memref<!tpu.dma_semaphore, #tpu.memory_space<semaphore_mem>>)
    %dma_wait3A_727 = arith.constant 504 : i32
    %dma_wait3A_728 = arith.constant 0 : i32
    %dma_wait3A_729 = tpu.memref_slice %arg6[%dma_wait3A_727, %dma_wait3A_728] : memref<1000x128xf32, #tpu.memory_space<vmem>> -> memref<496x128xf32, #tpu.memory_space<vmem>>
    %dma_wait3A_730 = arith.constant 504 : i32
    %dma_wait3A_731 = tpu.memref_slice %arg4[%dma_wait3A_730, %add3A_582] : memref<1000x16384xf32, #tpu.memory_space<hbm>> -> memref<496x128xf32, #tpu.memory_space<hbm>>
    %dma_wait3A_732 = arith.constant 504 : i32
    %dma_wait3A_733 = tpu.memref_slice %arg4[%dma_wait3A_732, %add3A_582] : memref<1000x16384xf32, #tpu.memory_space<hbm>> -> memref<496x128xf32, #tpu.memory_space<hbm>>
    %dma_wait3A_734 = arith.constant 504 : i32
    %dma_wait3A_735 = arith.constant 0 : i32
    %dma_wait3A_736 = tpu.memref_slice %arg6[%dma_wait3A_734, %dma_wait3A_735] : memref<1000x128xf32, #tpu.memory_space<vmem>> -> memref<496x128xf32, #tpu.memory_space<vmem>>
    tpu.wait_dma2 semaphore(%arg8 : memref<!tpu.dma_semaphore, #tpu.memory_space<semaphore_mem>>) src(%dma_wait3A_736 : memref<496x128xf32, #tpu.memory_space<vmem>>) dst(%dma_wait3A_733 : memref<496x128xf32, #tpu.memory_space<hbm>>)
    %add3A_737 = arith.constant 0 : i32
    %add3A_738 = vector.broadcast %add3A_737 : i32 to vector<16xi32>
    %add3A_739 = arith.addi %add3A_738, %iota3A : vector<16xi32>
    tpu.vector_store_idx %arg6[%get3A_390, %add3A_739], %broadcast_in_dim3A_28 masked %ge3A_431 : memref<1000x128xf32, #tpu.memory_space<vmem>>[vector<16xi32>, vector<16xi32>], vector<16xf32>, vector<16xi1>
    %add3A_740 = arith.constant 16 : i32
    %add3A_741 = vector.broadcast %add3A_740 : i32 to vector<16xi32>
    %add3A_742 = arith.addi %add3A_741, %iota3A : vector<16xi32>
    tpu.vector_store_idx %arg6[%get3A_392, %add3A_742], %broadcast_in_dim3A_28 masked %ge3A_434 : memref<1000x128xf32, #tpu.memory_space<vmem>>[vector<16xi32>, vector<16xi32>], vector<16xf32>, vector<16xi1>
    %add3A_743 = arith.constant 32 : i32
    %add3A_744 = vector.broadcast %add3A_743 : i32 to vector<16xi32>
    %add3A_745 = arith.addi %add3A_744, %iota3A : vector<16xi32>
    tpu.vector_store_idx %arg6[%get3A_394, %add3A_745], %broadcast_in_dim3A_28 masked %ge3A_437 : memref<1000x128xf32, #tpu.memory_space<vmem>>[vector<16xi32>, vector<16xi32>], vector<16xf32>, vector<16xi1>
    %add3A_746 = arith.constant 48 : i32
    %add3A_747 = vector.broadcast %add3A_746 : i32 to vector<16xi32>
    %add3A_748 = arith.addi %add3A_747, %iota3A : vector<16xi32>
    tpu.vector_store_idx %arg6[%get3A_396, %add3A_748], %broadcast_in_dim3A_28 masked %ge3A_440 : memref<1000x128xf32, #tpu.memory_space<vmem>>[vector<16xi32>, vector<16xi32>], vector<16xf32>, vector<16xi1>
    %add3A_749 = arith.constant 64 : i32
    %add3A_750 = vector.broadcast %add3A_749 : i32 to vector<16xi32>
    %add3A_751 = arith.addi %add3A_750, %iota3A : vector<16xi32>
    tpu.vector_store_idx %arg6[%get3A_398, %add3A_751], %broadcast_in_dim3A_28 masked %ge3A_443 : memref<1000x128xf32, #tpu.memory_space<vmem>>[vector<16xi32>, vector<16xi32>], vector<16xf32>, vector<16xi1>
    %add3A_752 = arith.constant 80 : i32
    %add3A_753 = vector.broadcast %add3A_752 : i32 to vector<16xi32>
    %add3A_754 = arith.addi %add3A_753, %iota3A : vector<16xi32>
    tpu.vector_store_idx %arg6[%get3A_400, %add3A_754], %broadcast_in_dim3A_28 masked %ge3A_446 : memref<1000x128xf32, #tpu.memory_space<vmem>>[vector<16xi32>, vector<16xi32>], vector<16xf32>, vector<16xi1>
    %add3A_755 = arith.constant 96 : i32
    %add3A_756 = vector.broadcast %add3A_755 : i32 to vector<16xi32>
    %add3A_757 = arith.addi %add3A_756, %iota3A : vector<16xi32>
    tpu.vector_store_idx %arg6[%get3A_402, %add3A_757], %broadcast_in_dim3A_28 masked %ge3A_449 : memref<1000x128xf32, #tpu.memory_space<vmem>>[vector<16xi32>, vector<16xi32>], vector<16xf32>, vector<16xi1>
    %add3A_758 = arith.constant 112 : i32
    %add3A_759 = vector.broadcast %add3A_758 : i32 to vector<16xi32>
    %add3A_760 = arith.addi %add3A_759, %iota3A : vector<16xi32>
    tpu.vector_store_idx %arg6[%get3A_404, %add3A_760], %broadcast_in_dim3A_28 masked %ge3A_452 : memref<1000x128xf32, #tpu.memory_space<vmem>>[vector<16xi32>, vector<16xi32>], vector<16xf32>, vector<16xi1>
    %add3A_761 = arith.constant 0 : i32
    %add3A_762 = vector.broadcast %add3A_761 : i32 to vector<16xi32>
    %add3A_763 = arith.addi %add3A_762, %iota3A : vector<16xi32>
    tpu.vector_store_idx %arg6[%get3A_594, %add3A_763], %broadcast_in_dim3A_26 masked %ge3A_635 : memref<1000x128xf32, #tpu.memory_space<vmem>>[vector<16xi32>, vector<16xi32>], vector<16xf32>, vector<16xi1>
    %add3A_764 = arith.constant 16 : i32
    %add3A_765 = vector.broadcast %add3A_764 : i32 to vector<16xi32>
    %add3A_766 = arith.addi %add3A_765, %iota3A : vector<16xi32>
    tpu.vector_store_idx %arg6[%get3A_596, %add3A_766], %broadcast_in_dim3A_26 masked %ge3A_638 : memref<1000x128xf32, #tpu.memory_space<vmem>>[vector<16xi32>, vector<16xi32>], vector<16xf32>, vector<16xi1>
    %add3A_767 = arith.constant 32 : i32
    %add3A_768 = vector.broadcast %add3A_767 : i32 to vector<16xi32>
    %add3A_769 = arith.addi %add3A_768, %iota3A : vector<16xi32>
    tpu.vector_store_idx %arg6[%get3A_598, %add3A_769], %broadcast_in_dim3A_26 masked %ge3A_641 : memref<1000x128xf32, #tpu.memory_space<vmem>>[vector<16xi32>, vector<16xi32>], vector<16xf32>, vector<16xi1>
    %add3A_770 = arith.constant 48 : i32
    %add3A_771 = vector.broadcast %add3A_770 : i32 to vector<16xi32>
    %add3A_772 = arith.addi %add3A_771, %iota3A : vector<16xi32>
    tpu.vector_store_idx %arg6[%get3A_600, %add3A_772], %broadcast_in_dim3A_26 masked %ge3A_644 : memref<1000x128xf32, #tpu.memory_space<vmem>>[vector<16xi32>, vector<16xi32>], vector<16xf32>, vector<16xi1>
    %add3A_773 = arith.constant 64 : i32
    %add3A_774 = vector.broadcast %add3A_773 : i32 to vector<16xi32>
    %add3A_775 = arith.addi %add3A_774, %iota3A : vector<16xi32>
    tpu.vector_store_idx %arg6[%get3A_602, %add3A_775], %broadcast_in_dim3A_26 masked %ge3A_647 : memref<1000x128xf32, #tpu.memory_space<vmem>>[vector<16xi32>, vector<16xi32>], vector<16xf32>, vector<16xi1>
    %add3A_776 = arith.constant 80 : i32
    %add3A_777 = vector.broadcast %add3A_776 : i32 to vector<16xi32>
    %add3A_778 = arith.addi %add3A_777, %iota3A : vector<16xi32>
    tpu.vector_store_idx %arg6[%get3A_604, %add3A_778], %broadcast_in_dim3A_26 masked %ge3A_650 : memref<1000x128xf32, #tpu.memory_space<vmem>>[vector<16xi32>, vector<16xi32>], vector<16xf32>, vector<16xi1>
    %add3A_779 = arith.constant 96 : i32
    %add3A_780 = vector.broadcast %add3A_779 : i32 to vector<16xi32>
    %add3A_781 = arith.addi %add3A_780, %iota3A : vector<16xi32>
    tpu.vector_store_idx %arg6[%get3A_606, %add3A_781], %broadcast_in_dim3A_26 masked %ge3A_653 : memref<1000x128xf32, #tpu.memory_space<vmem>>[vector<16xi32>, vector<16xi32>], vector<16xf32>, vector<16xi1>
    %add3A_782 = arith.constant 112 : i32
    %add3A_783 = vector.broadcast %add3A_782 : i32 to vector<16xi32>
    %add3A_784 = arith.addi %add3A_783, %iota3A : vector<16xi32>
    tpu.vector_store_idx %arg6[%get3A_608, %add3A_784], %broadcast_in_dim3A_26 masked %ge3A_656 : memref<1000x128xf32, #tpu.memory_space<vmem>>[vector<16xi32>, vector<16xi32>], vector<16xf32>, vector<16xi1>
    %add3A_785 = arith.constant 384 : i32
    %add3A_786 = arith.addi %mul3A_2, %add3A_785 : i32
    %dma_start3A_787 = arith.constant 504 : i32
    %dma_start3A_788 = arith.constant 0 : i32
    %dma_start3A_789 = tpu.memref_slice %arg6[%dma_start3A_787, %dma_start3A_788] : memref<1000x128xf32, #tpu.memory_space<vmem>> -> memref<496x128xf32, #tpu.memory_space<vmem>>
    %dma_start3A_790 = arith.constant 504 : i32
    %dma_start3A_791 = tpu.memref_slice %arg4[%dma_start3A_790, %add3A_786] : memref<1000x16384xf32, #tpu.memory_space<hbm>> -> memref<496x128xf32, #tpu.memory_space<hbm>>
    %dma_start3A_792 = arith.constant 504 : i32
    %dma_start3A_793 = tpu.memref_slice %arg4[%dma_start3A_792, %add3A_786] : memref<1000x16384xf32, #tpu.memory_space<hbm>> -> memref<496x128xf32, #tpu.memory_space<hbm>>
    %dma_start3A_794 = arith.constant 504 : i32
    %dma_start3A_795 = arith.constant 0 : i32
    %dma_start3A_796 = tpu.memref_slice %arg6[%dma_start3A_794, %dma_start3A_795] : memref<1000x128xf32, #tpu.memory_space<vmem>> -> memref<496x128xf32, #tpu.memory_space<vmem>>
    tpu.enqueue_dma source(%dma_start3A_796 : memref<496x128xf32, #tpu.memory_space<vmem>>) target(%dma_start3A_793 : memref<496x128xf32, #tpu.memory_space<hbm>>) target_semaphore(%arg8 : memref<!tpu.dma_semaphore, #tpu.memory_space<semaphore_mem>>)
    %dma_wait3A_797 = arith.constant 0 : i32
    %dma_wait3A_798 = arith.constant 0 : i32
    %dma_wait3A_799 = tpu.memref_slice %arg6[%dma_wait3A_797, %dma_wait3A_798] : memref<1000x128xf32, #tpu.memory_space<vmem>> -> memref<504x128xf32, #tpu.memory_space<vmem>>
    %dma_wait3A_800 = arith.constant 0 : i32
    %dma_wait3A_801 = tpu.memref_slice %arg4[%dma_wait3A_800, %add3A_716] : memref<1000x16384xf32, #tpu.memory_space<hbm>> -> memref<504x128xf32, #tpu.memory_space<hbm>>
    %dma_wait3A_802 = arith.constant 0 : i32
    %dma_wait3A_803 = tpu.memref_slice %arg4[%dma_wait3A_802, %add3A_716] : memref<1000x16384xf32, #tpu.memory_space<hbm>> -> memref<504x128xf32, #tpu.memory_space<hbm>>
    %dma_wait3A_804 = arith.constant 0 : i32
    %dma_wait3A_805 = arith.constant 0 : i32
    %dma_wait3A_806 = tpu.memref_slice %arg6[%dma_wait3A_804, %dma_wait3A_805] : memref<1000x128xf32, #tpu.memory_space<vmem>> -> memref<504x128xf32, #tpu.memory_space<vmem>>
    tpu.wait_dma2 semaphore(%arg7 : memref<!tpu.dma_semaphore, #tpu.memory_space<semaphore_mem>>) src(%dma_wait3A_806 : memref<504x128xf32, #tpu.memory_space<vmem>>) dst(%dma_wait3A_803 : memref<504x128xf32, #tpu.memory_space<hbm>>)
    %dma_wait3A_807 = arith.constant 504 : i32
    %dma_wait3A_808 = arith.constant 0 : i32
    %dma_wait3A_809 = tpu.memref_slice %arg6[%dma_wait3A_807, %dma_wait3A_808] : memref<1000x128xf32, #tpu.memory_space<vmem>> -> memref<496x128xf32, #tpu.memory_space<vmem>>
    %dma_wait3A_810 = arith.constant 504 : i32
    %dma_wait3A_811 = tpu.memref_slice %arg4[%dma_wait3A_810, %add3A_786] : memref<1000x16384xf32, #tpu.memory_space<hbm>> -> memref<496x128xf32, #tpu.memory_space<hbm>>
    %dma_wait3A_812 = arith.constant 504 : i32
    %dma_wait3A_813 = tpu.memref_slice %arg4[%dma_wait3A_812, %add3A_786] : memref<1000x16384xf32, #tpu.memory_space<hbm>> -> memref<496x128xf32, #tpu.memory_space<hbm>>
    %dma_wait3A_814 = arith.constant 504 : i32
    %dma_wait3A_815 = arith.constant 0 : i32
    %dma_wait3A_816 = tpu.memref_slice %arg6[%dma_wait3A_814, %dma_wait3A_815] : memref<1000x128xf32, #tpu.memory_space<vmem>> -> memref<496x128xf32, #tpu.memory_space<vmem>>
    tpu.wait_dma2 semaphore(%arg8 : memref<!tpu.dma_semaphore, #tpu.memory_space<semaphore_mem>>) src(%dma_wait3A_816 : memref<496x128xf32, #tpu.memory_space<vmem>>) dst(%dma_wait3A_813 : memref<496x128xf32, #tpu.memory_space<hbm>>)
    return
  }
}

</mosaic_0001>

<sc_bundles>
// kernel: kernel.3.cloned.1.call-start
scs
__scs_entry_jumppad:
0x0: {  	(pc) =	sbr.rel $0x88, $3  }
0x1: {  	(tag) =	ssettag $0x0;
	lr =	simm.s32 $0x1  }
0x2: {  	[smem:$0x3FA0] =	sst lr;
	_ =	strace $0xD0000000  }
0x3: {  	_ = 	snop  }
0x4: {  	_ = 	snop  }
0x5: {  	_ = 	snop  }
0x6: {  	_ = 	snop  }
0x7: {  	_ = 	snop  }
__scs_overlays_trampoline_lowered:
0x8: {  	[smem:$0x3FAF] =	sst s0  }
0x9: {  	[smem:$0x3FB0] =	sst s1  }
0xa: {  	[smem:$0x3FB1] =	sst s2  }
0xb: {  	[smem:$0x3FB2] =	sst s3  }
0xc: {  	[smem:$0x3FB3] =	sst s4  }
0xd: {  	[smem:$0x3FB4] =	sst s5  }
0xe: {  	[smem:$0x3FB5] =	sst s6  }
0xf: {  	[smem:$0x3FB6] =	sst s7  }
0x10: {  	[smem:$0x3FB7] =	sst s8  }
0x11: {  	[smem:$0x3FB8] =	sst s9;
	s0 =	simm.s32 @!p0 $0x0  }
0x12: {  	s1 =	sld [smem:$0x3F9E];
	s0 =	simm.s32 @p0 $0x1  }
0x13: {  	[smem:$0x3FB9] =	sst s0;
	s0 =	simm.s32 @!p1 $0x0  }
0x14: {  	s2 =	sld [smem:$0x3F9D];
	s0 =	simm.s32 @p1 $0x1  }
0x15: {  	[smem:$0x3FBA] =	sst s0;
	s0 =	simm.s32 @!p2 $0x0  }
0x16: {  	s3 =	sld [smem:$0x3FDB];
	s0 =	simm.s32 @p2 $0x1  }
0x17: {  	s4 =	simm.s32 $0x1BF5;
	[smem:$0x3FBC] =	sst s0  }
0x18: {  	s0 =	sld [smem:$0x3F9F];
	_ =	swait.ge [sflag:s4], $0x0  }
0x19: {  	s7 =	sld [smem:$0x3FA0]  }
0x1a: {  	s8 =	sadd.s32 $0xFFFFE003, lr  }
0x1b: {  	s9 =	sadd.s32 $0xFFFFFEF7, lr;
	s5 =	simm.s32 $0xFFFFFFFF;
	p2 =	slt.u32 s8, $0xFFFFF086  }
0x1c: {  	p1 =	slt.u32 s9, $0xF7A;
	s5 =	simm.s32 @!p2 $0x0  }
0x1d: {  	s5 =	simm.s32 @p1 $0x1;
	p0 =	seq.s32 s7, s2  }
0x1e: {  	s7 =	smul.u32 @!p0 $0xF7A, s2;
	p2 =	seq.s32 @!p0 s5, $0x0  }
0x1f: {  	s9 =	smul.u32 $0xF7A, s1;
	s8 =	simm.s32 @!p0 $0x1BF5;
	p2 =	por !p2, p0  }
0x20: {  	[sflag:s8] =	ssyncset.s32 @!p0 $0xFFFFF086;
	s6 =	sadd.s32 @!p0 s3, s7;
	s7 =	simm.s32 @!p0 $0x108  }
0x21: {  	s3 =	sadd.s32 s3, s9;
	s6 =	sadd.s32 @!p0 $0x88, s6;
	s7 =	simm.s32 @p2 $0x1082  }
0x22: {  	[simem:s7], [sflag:s8] =	dma.local @!p0 [hbm:s6], $0xF7A  }
0x23: {  	s9 =	sor.u32 $0xD0000000, s2;
	s6 =	simm.s32 $0x108;
	_ =	swait.ge @!p0 [sflag:s8], $0x0  }
0x24: {  	s3 =	sadd.s32 $0x88, s3;
	s6 =	simm.s32 @!p1 $0x1082;
	[sflag:s4] =	ssyncset.s32 $0xFFFFF086  }
0x25: {  	[simem:s6], [sflag:s4] =	dma.local [hbm:s3], $0xF7A  }
0x26: {  	[smem:$0x3FA0] =	sst s1;
	(tag) =	ssettag s2;
	_ =	strace s9  }
0x27: {  	s1 =	sld [smem:$0x3FB0]  }
0x28: {  	s2 =	sld [smem:$0x3FB1]  }
0x29: {  	s4 =	sld [smem:$0x3FB3]  }
0x2a: {  	p0 =	seq.s32 s5, $0x0;
	s5 =	sld [smem:$0x3FB4]  }
0x2b: {  	s6 =	sld [smem:$0x3FB5]  }
0x2c: {  	s7 =	sld [smem:$0x3FB6]  }
0x2d: {  	s3 =	simm.s32 $0x108;
	s8 =	sld [smem:$0x3FB7]  }
0x2e: {  	s3 =	simm.s32 @!p0 $0x1082;
	s9 =	sld [smem:$0x3FB8]  }
0x2f: {  	lr =	sadd.s32 s0, s3;
	s0 =	sld [smem:$0x3FAF]  }
0x30: {  	s3 =	sld [smem:$0x3FB2]  }
0x31: {  	[smem:$0x3FBB] =	sst s10  }
0x32: {  	s10 =	sld [smem:$0x3FB9];
	_ =	sdelay $0x3  }
0x33: {  	p0 =	seq.s32 s10, $0x1;
	s10 =	sld [smem:$0x3FBB];
	_ =	sdelay $0x3  }
0x34: {  	[smem:$0x3FBB] =	sst s10  }
0x35: {  	s10 =	sld [smem:$0x3FBA];
	_ =	sdelay $0x3  }
0x36: {  	p1 =	seq.s32 s10, $0x1;
	s10 =	sld [smem:$0x3FBB];
	_ =	sdelay $0x3  }
0x37: {  	[smem:$0x3FBB] =	sst s10  }
0x38: {  	s10 =	sld [smem:$0x3FBC]  }
0x39: {  	_ = 	snop;
	(pc) =	sbr.ind lr, $3  }
0x3a: {  	_ = 	snop  }
0x3b: {  	_ = 	snop  }
0x3c: {  	p2 =	seq.s32 s10, $0x1;
	s10 =	sld [smem:$0x3FBB]  }
0x3d: {  	_ =	shalt  }
0x3e: {  	_ =	shalt  }
0x3f: {  	_ =	shalt  }
0x40: {  	_ =	shalt  }
0x41: {  	_ =	shalt  }
0x42: {  	_ =	shalt  }
0x43: {  	_ =	shalt  }
0x44: {  	_ =	shalt  }
0x45: {  	_ =	shalt  }
0x46: {  	_ =	shalt  }
0x47: {  	_ =	shalt  }
0x48: {  	_ =	shalt  }
0x49: {  	_ =	shalt  }
0x4a: {  	_ =	shalt  }
0x4b: {  	_ =	shalt  }
0x4c: {  	_ =	shalt  }
0x4d: {  	_ =	shalt  }
0x4e: {  	_ =	shalt  }
0x4f: {  	_ =	shalt  }
0x50: {  	_ =	shalt  }
0x51: {  	_ =	shalt  }
0x52: {  	_ =	shalt  }
0x53: {  	_ =	shalt  }
0x54: {  	_ =	shalt  }
0x55: {  	_ =	shalt  }
0x56: {  	_ =	shalt  }
0x57: {  	_ =	shalt  }
0x58: {  	_ =	shalt  }
0x59: {  	_ =	shalt  }
0x5a: {  	_ =	shalt  }
0x5b: {  	_ =	shalt  }
0x5c: {  	_ =	shalt  }
0x5d: {  	_ =	shalt  }
0x5e: {  	_ =	shalt  }
0x5f: {  	_ =	shalt  }
0x60: {  	_ =	shalt  }
0x61: {  	_ =	shalt  }
0x62: {  	_ =	shalt  }
0x63: {  	_ =	shalt  }
0x64: {  	_ =	shalt  }
0x65: {  	_ =	shalt  }
0x66: {  	_ =	shalt  }
0x67: {  	_ =	shalt  }
0x68: {  	_ =	shalt  }
0x69: {  	_ =	shalt  }
0x6a: {  	_ =	shalt  }
0x6b: {  	_ =	shalt  }
0x6c: {  	_ =	shalt  }
0x6d: {  	_ =	shalt  }
0x6e: {  	_ =	shalt  }
0x6f: {  	_ =	shalt  }
0x70: {  	_ =	shalt  }
0x71: {  	_ =	shalt  }
0x72: {  	_ =	shalt  }
0x73: {  	_ =	shalt  }
0x74: {  	_ =	shalt  }
0x75: {  	_ =	shalt  }
0x76: {  	_ =	shalt  }
0x77: {  	_ =	shalt  }
0x78: {  	_ =	shalt  }
0x79: {  	_ =	shalt  }
0x7a: {  	_ =	shalt  }
0x7b: {  	_ =	shalt  }
0x7c: {  	_ =	shalt  }
0x7d: {  	_ =	shalt  }
0x7e: {  	_ =	shalt  }
0x7f: {  	_ =	shalt  }
0x80: {  	_ =	shalt  }
0x81: {  	_ =	shalt  }
0x82: {  	_ =	shalt  }
0x83: {  	_ =	shalt  }
0x84: {  	_ =	shalt  }
0x85: {  	_ =	shalt  }
0x86: {  	_ =	shalt  }
0x87: {  	_ =	shalt  }
.Lfunc_end0:
.L_simem_size_0:
called_computation_lowered:
.L_overlay_start_0:
0x88: {  	s2 =	sld [smem:$0x3FD9]  }
0x89: {  	s3 =	sld [smem:$0x3FFE];
	_ =	sdelay $0x1  }
0x8a: {  	s1 =	srdreg.scid  }
0x8b: {  	s0 =	sand.u32 $0x1, s1  }
0x8c: {  	s17 =	sshll.u32 s0, $0xA;
	s2 =	sadd.s32 s3, s2  }
0x8d: {  	s2 =	sadd.s32 s2, s17  }
0x8e: {  	[smem:$0x3FC7] =	sst s2  }
0x8f: {  	_ = 	snop  }
0x90: {  	s2 =	sld [smem:$0x3FC9]  }
0x91: {  	s18 =	sld [smem:$0x3FD0];
	(tm) =	ssettm $0x1  }
0x92: {  	s4 =	sld [smem:$0x3FFB];
	_ =	sdelay $0x3  }
0x93: {  	_ =	strace s4  }
0x94: {  	s4 =	sld [smem:$0x3FFC];
	_ =	sdelay $0x3  }
0x95: {  	_ =	strace s4  }
0x96: {  	s4 =	sld [smem:$0x3FFD];
	_ =	sdelay $0x3  }
0x97: {  	_ =	strace s4  }
0x98: {  	_ =	strace $0x8FFFFFFF  }
0x99: {  	s19 =	sld [smem:$0x3FDB];
	_ =	sdelay $0x1  }
0x9a: {  	s5 =	simm.s32 $_scs_section_size  }
0x9b: {  	s6 =	simm.s32 $_size__tile_overlayer_lowered;
	s7 =	simm.s32 $_tile_overlayer_lowered  }
0x9c: {  	s22 =	simm.s32 $0x1BFF;
	s21 =	sshll.u32 s7, $0x1;
	s4 =	sadd.s32 s5, s19  }
0x9d: {  	s8 =	simm.s32 $0x0;
	s20 =	sshll.u32 s6, $0x1;
	s6 =	sadd.s32 s21, s4  }
0x9e: {  	[timem:s8], [sflag:s22] =	dma.local [hbm:s6], s20  }
0x9f: {  	_ =	swait.ge [sflag:s22], s20  }
0xa0: {  	s5 =	ssub.s32 $0x0, s20;
	[sflag:s22] =	ssyncset.done $0x0  }
0xa1: {  	[sflag:s22] =	ssyncadd.s32 s5;
	_ =	sdelay $0x1  }
0xa2: {  	s23 =	simm.s32 $0x1B8B  }
0xa3: {  	_ =	swait.ge [sflag:s23], $0x1  }
0xa4: {  	[sflag:s23] =	ssyncset.done $0x0  }
0xa5: {  	s25 =	simm.s32 $0x1B8E;
	s24 =	sld [smem:$0x3FFE];
	[sflag:s23] =	ssyncadd.s32 $0xFFFFFFFF  }
0xa6: {  	s26 =	simm.s32 $execute0_lowered;
	[smem:$0x3FD2] =	sst s25  }
0xa7: {  	s6 =	sshll.u32 s26, $0x1;
	_ =	strace $0x80000046;
	[dreg:$0x1] =	wrdreg $0xFFFFFFFF  }
0xa8: {  	s28 =	simm.s32 $_size_execute0_lowered;
	s4 =	sadd.s32 s4, s6;
	[dreg:$0x0] =	wrdreg $0x0  }
0xa9: {  	s6 =	sshll.u32 s28, $0x1;
	[dreg:$0x2] =	wrdreg s4  }
0xaa: {  	[dreg:$0x3] =	wrdreg s6  }
0xab: {  	[dreg:$0x4] =	wrdreg $0xC0  }
0xac: {  	_ =	task [dreg:s8], $0x5FFFF  }
0xad: {  	[dreg:$0x1] =	wrdreg $0xFFFFFFFF  }
0xae: {  	[dreg:$0x0] =	wrdreg $0x60  }
0xaf: {  	[dreg:$0x2] =	wrdreg s2  }
0xb0: {  	[dreg:$0x3] =	wrdreg s24  }
0xb1: {  	[dreg:$0x4] =	wrdreg s18  }
0xb2: {  	[dreg:$0x5] =	wrdreg $0x9  }
0xb3: {  	_ =	task.clear_ibuf [dreg:s8], $0x6FFFF;
	_ =	strace $0x90000046  }
0xb4: {  	s29 =	simm.s32 $0x9;
	_ =	strace $0x80000048  }
0xb5: {  	_ =	swait.ge [sflag:s29], $0x1  }
0xb6: {  	[sflag:s29] =	ssyncadd.s32 $0xFFFFFFFF  }
0xb7: {  	_ =	strace $0x90000048  }
0xb8: {  	_ =	sfence  }
0xb9: {  	s30 =	sld [smem:$0x0];
	_ =	sdelay $0x2  }
0xba: {  	s31 =	sshll.u32 s1, $0xD;
	s1 =	sshrl.u32 s1, $0x2  }
0xbb: {  	s3 =	sand.u32 $0x4000, s31;
	s1 =	sadd.s32 s1, s30  }
0xbc: {  	s0 =	sor.u32 s3, s0;
	s1 =	sshll.u32 s1, $0x11  }
0xbd: {  	s0 =	sor.u32 s1, s0  }
0xbe: {  	s0 =	sadd.s32 $0x8F2B, s0  }
0xbf: {  	[sflag:s0] =	ssyncadd.remote.s32 $0x1  }
0xc0: {  	_ =	sfence.sel $0xFFFF  }
0xc1: {  	[dreg:$0x0] =	wrdreg $0xFFFFFFFF;
	(pc) =	sbr.abs _section_cstart, $3  }
0xc2: {  	[dreg:$0x1] =	wrdreg $0xFFFFFFFF  }
0xc3: {  	_ =	task.clear_ibuf [dreg:s8], $0x2FFFF;
	_ =	strace $0x9FFFFFFF  }
0xc4: {  	(tm) =	ssettm $0x7FFFFFFF  }
0xc5: {  	_ =	shalt  }
tec
execute0_lowered:
.L_overlay_start_1:
0x0: {  	(tag) =	ssettag $0x1  }
0x1: {  	s7 =	rddreg [dreg:$0x0]  }
0x2: {  	s3 =	rddreg [dreg:$0x1]  }
0x3: {  	s10 =	rddreg [dreg:$0x2]  }
0x4: {  	s0 =	rddreg [dreg:$0x3];
	s4 =	simm.s32 $0x0;
	s2 =	srdreg.scid  }
0x5: {  	s1 =	stileid.u32;
	[smem:$0x7FF] =	sst s4;
	s19 =	sand.u32 $0x1, s2  }
0x6: {  	s31 =	sshll.u32 s1, $0xA;
	s5 =	sadd.s32 $0x400, s3;
	s6 =	sshll.u32 s19, $0x9  }
0x7: {  	s2 =	simm.s32 $0x200;
	_ =	strace $0x80000047;
	s11 =	sor.u32 s6, s31  }
0x8: {  	[tilespmem:s2], [sflag:$0x1] =	stream.linear.gather [hbm4b:s5+s4], $0xFC00, $0x38;
	[tilespmem:$0x1F600] =	vst v63  }
0x9: {  	s6 =	sadd.s32 $0x2380, s3;
	s3 =	simm.s32 $0xFE00;
	s8 =	sshrl.u32 s11, $0x3  }
0xa: {  	[tilespmem:s3], [sflag:$0x2] =	stream.linear.gather [hbm4b:s6+s4], $0xF800, $0x38;
	[tilespmem:$0x1F600] =	vst v63  }
0xb: {  	s9 =	simm.s32 $0x3;
	s7 =	sadd.s32 s7, s8  }
0xc: {  	[tilespmem:s4], [sflag:$0x3] =	stream.linear.gather [hbm4b:s7+s4], $0x200, $0x38;
	[tilespmem:$0x1F600] =	vst v63  }
0xd: {  	_ =	swait.ge [sflag:s9], $0x200  }
0xe: {  	[sflag:s9] =	ssyncset.done $0x0  }
0xf: {  	[sflag:s9] =	ssyncadd.s32 $0xFFFFFE00  }
0x10: {  	v9 =	vld [tilespmem:$0x0]  }
0x11: {  	v10 =	vld [tilespmem:$0x10]  }
0x12: {  	v1 =	vlaneseq.u32;
	v0 =	vimm.f32 $1.000000000e+00;
	v11 =	vld [tilespmem:$0x20]  }
0x13: {  	v2 =	vor.u32 $0x10, v1;
	v3 =	vor.u32 $0x20, v1;
	v4 =	vor.u32 $0x30, v1;
	v12 =	vld [tilespmem:$0x30]  }
0x14: {  	v5 =	vor.u32 $0x40, v1;
	v6 =	vor.u32 $0x50, v1;
	v7 =	vor.u32 $0x60, v1;
	v13 =	vld [tilespmem:$0x40]  }
0x15: {  	v8 =	vor.u32 $0x70, v1;
	v14 =	vld [tilespmem:$0x50];
	vm8 =	vlt.s32 v9, $0x1F8;
	v15 =	vshll.u32 v9, $0x7  }
0x16: {  	v16 =	vld [tilespmem:$0x60];
	vm13 =	vlt.s32 v10, $0x1F8;
	v17 =	vshll.u32 v10, $0x7;
	v15 =	vor.u32 v1, v15  }
0x17: {  	s8 =	simm.s32 $0x1;
	v18 =	vld [tilespmem:$0x70];
	vm10 =	vlt.s32 v11, $0x1F8;
	v19 =	vshll.u32 v11, $0x7;
	v17 =	vor.u32 v2, v17  }
0x18: {  	_ =	swait.ge [sflag:s8], $0xFC00;
	vm11 =	vlt.s32 v12, $0x1F8;
	v20 =	vshll.u32 v12, $0x7;
	v19 =	vor.u32 v3, v19  }
0x19: {  	[sflag:s8] =	ssyncset.done $0x0;
	vm12 =	vlt.s32 v13, $0x1F8;
	v21 =	vshll.u32 v13, $0x7;
	v20 =	vor.u32 v4, v20  }
0x1a: {  	[sflag:s8] =	ssyncadd.s32 $0xFFFF0400;
	vm14 =	vlt.s32 v14, $0x1F8;
	v22 =	vshll.u32 v14, $0x7;
	v21 =	vor.u32 v5, v21  }
0x1b: {  	vm15 =	vlt.s32 v16, $0x1F8;
	v23 =	vshll.u32 v16, $0x7;
	v22 =	vor.u32 v6, v22;
	[tilespmem:v15+s2+$0x0] =	vst.idx.msk vm8, v0  }
0x1c: {  	vm0 =	vlt.s32 v18, $0x1F8;
	v24 =	vshll.u32 v18, $0x7;
	v23 =	vor.u32 v7, v23;
	[tilespmem:v17+s2+$0x0] =	vst.idx.msk vm13, v0  }
0x1d: {  	v24 =	vor.u32 v8, v24;
	[tilespmem:v19+s2+$0x0] =	vst.idx.msk vm10, v0  }
0x1e: {  	[tilespmem:v20+s2+$0x0] =	vst.idx.msk vm11, v0  }
0x1f: {  	[tilespmem:v21+s2+$0x0] =	vst.idx.msk vm12, v0  }
0x20: {  	[tilespmem:v22+s2+$0x0] =	vst.idx.msk vm14, v0  }
0x21: {  	s12 =	simm.s32 $0x20000;
	vm9 =	vgt.s32 v9, $0x1F7;
	[tilespmem:v23+s2+$0x0] =	vst.idx.msk vm15, v0  }
0x22: {  	s13 =	sadd.s32 s10, s11;
	s11 =	simm.s32 $0x400;
	s10 =	simm.s32 $0x2;
	vm1 =	vgt.s32 v10, $0x1F7;
	[tilespmem:v24+s2+$0x0] =	vst.idx.msk vm0, v0  }
0x23: {  	vm2 =	vgt.s32 v11, $0x1F7;
	[hbm4b:s13+s11] =	stream.strided.scatter [tilespmem:s2], [sflag:$0x1], $0xFC00, s12, s11, $0x38;
	[tilespmem:$0x1F600] =	vst v63  }
0x24: {  	vm3 =	vgt.s32 v12, $0x1F7;
	_ =	swait.ge [sflag:s10], $0xF800  }
0x25: {  	vm4 =	vgt.s32 v13, $0x1F7;
	[sflag:s10] =	ssyncset.done $0x0  }
0x26: {  	vm5 =	vgt.s32 v14, $0x1F7;
	[sflag:s10] =	ssyncadd.s32 $0xFFFF0800  }
0x27: {  	vm6 =	vgt.s32 v16, $0x1F7;
	[tilespmem:v15+s2+$0x0] =	vst.idx.msk vm9, v0  }
0x28: {  	vm7 =	vgt.s32 v18, $0x1F7;
	[tilespmem:v17+s2+$0x0] =	vst.idx.msk vm1, v0  }
0x29: {  	[tilespmem:v19+s2+$0x0] =	vst.idx.msk vm2, v0  }
0x2a: {  	[tilespmem:v20+s2+$0x0] =	vst.idx.msk vm3, v0  }
0x2b: {  	[tilespmem:v21+s2+$0x0] =	vst.idx.msk vm4, v0  }
0x2c: {  	[tilespmem:v22+s2+$0x0] =	vst.idx.msk vm5, v0  }
0x2d: {  	[tilespmem:v23+s2+$0x0] =	vst.idx.msk vm6, v0  }
0x2e: {  	s14 =	sadd.s32 $0xFC000, s13;
	[tilespmem:v24+s2+$0x0] =	vst.idx.msk vm7, v0  }
0x2f: {  	[hbm4b:s14+s11] =	stream.strided.scatter [tilespmem:s3], [sflag:$0x2], $0xF800, s12, s11, $0x38;
	[tilespmem:$0x1F600] =	vst v63  }
0x30: {  	v10 =	vld [tilespmem:$0xF0]  }
0x31: {  	v11 =	vld [tilespmem:$0xD0]  }
0x32: {  	v12 =	vld [tilespmem:$0xE0]  }
0x33: {  	v13 =	vld [tilespmem:$0xB0]  }
0x34: {  	v14 =	vld [tilespmem:$0xC0]  }
0x35: {  	v16 =	vld [tilespmem:$0xA0]  }
0x36: {  	v18 =	vld [tilespmem:$0x80]  }
0x37: {  	v25 =	vld [tilespmem:$0x90];
	_ =	swait.ge [sflag:s8], $0xFC00  }
0x38: {  	[sflag:s8] =	ssyncset.done $0x0  }
0x39: {  	v9 =	vimm.f32 $0.0e+00;
	[sflag:s8] =	ssyncadd.s32 $0xFFFF0400  }
0x3a: {  	[tilespmem:v15+s2+$0x0] =	vst.idx.msk vm8, v9  }
0x3b: {  	[tilespmem:v17+s2+$0x0] =	vst.idx.msk vm13, v9  }
0x3c: {  	v26 =	vshll.u32 v18, $0x7;
	vm8 =	vlt.s32 v18, $0x1F8;
	[tilespmem:v19+s2+$0x0] =	vst.idx.msk vm10, v9  }
0x3d: {  	v27 =	vshll.u32 v25, $0x7;
	vm10 =	vlt.s32 v25, $0x1F8;
	[tilespmem:v20+s2+$0x0] =	vst.idx.msk vm11, v9;
	v26 =	vor.u32 v1, v26  }
0x3e: {  	v28 =	vshll.u32 v16, $0x7;
	vm11 =	vlt.s32 v16, $0x1F8;
	v27 =	vor.u32 v2, v27;
	[tilespmem:v21+s2+$0x0] =	vst.idx.msk vm12, v9  }
0x3f: {  	v29 =	vshll.u32 v13, $0x7;
	vm13 =	vlt.s32 v13, $0x1F8;
	v28 =	vor.u32 v3, v28;
	[tilespmem:v22+s2+$0x0] =	vst.idx.msk vm14, v9  }
0x40: {  	v30 =	vshll.u32 v14, $0x7;
	v29 =	vor.u32 v4, v29;
	vm12 =	vlt.s32 v14, $0x1F8;
	[tilespmem:v23+s2+$0x0] =	vst.idx.msk vm15, v9  }
0x41: {  	v31 =	vshll.u32 v11, $0x7;
	v30 =	vor.u32 v5, v30;
	vm14 =	vlt.s32 v11, $0x1F8;
	[tilespmem:v24+s2+$0x0] =	vst.idx.msk vm0, v9  }
0x42: {  	v32 =	vshll.u32 v12, $0x7;
	v31 =	vor.u32 v6, v31;
	vm15 =	vlt.s32 v12, $0x1F8;
	[tilespmem:v26+s2+$0x0] =	vst.idx.msk vm8, v0  }
0x43: {  	v33 =	vshll.u32 v10, $0x7;
	v32 =	vor.u32 v7, v32;
	vm0 =	vlt.s32 v10, $0x1F8;
	[tilespmem:v27+s2+$0x0] =	vst.idx.msk vm10, v0  }
0x44: {  	v33 =	vor.u32 v8, v33;
	[tilespmem:v28+s2+$0x0] =	vst.idx.msk vm11, v0  }
0x45: {  	[tilespmem:v29+s2+$0x0] =	vst.idx.msk vm13, v0  }
0x46: {  	[tilespmem:v30+s2+$0x0] =	vst.idx.msk vm12, v0  }
0x47: {  	[tilespmem:v31+s2+$0x0] =	vst.idx.msk vm14, v0  }
0x48: {  	[tilespmem:v32+s2+$0x0] =	vst.idx.msk vm15, v0  }
0x49: {  	s15 =	sadd.s32 $0x80, s13;
	[tilespmem:v33+s2+$0x0] =	vst.idx.msk vm0, v0  }
0x4a: {  	[hbm4b:s15+s11] =	stream.strided.scatter [tilespmem:s2], [sflag:$0x1], $0xFC00, s12, s11, $0x38;
	[tilespmem:$0x1F600] =	vst v63  }
0x4b: {  	_ =	swait.ge [sflag:s10], $0xF800  }
0x4c: {  	[sflag:s10] =	ssyncset.done $0x0  }
0x4d: {  	[sflag:s10] =	ssyncadd.s32 $0xFFFF0800  }
0x4e: {  	[tilespmem:v15+s2+$0x0] =	vst.idx.msk vm9, v9  }
0x4f: {  	[tilespmem:v17+s2+$0x0] =	vst.idx.msk vm1, v9  }
0x50: {  	vm9 =	vgt.s32 v18, $0x1F7;
	[tilespmem:v19+s2+$0x0] =	vst.idx.msk vm2, v9  }
0x51: {  	vm1 =	vgt.s32 v25, $0x1F7;
	[tilespmem:v20+s2+$0x0] =	vst.idx.msk vm3, v9  }
0x52: {  	vm2 =	vgt.s32 v16, $0x1F7;
	[tilespmem:v21+s2+$0x0] =	vst.idx.msk vm4, v9  }
0x53: {  	vm3 =	vgt.s32 v13, $0x1F7;
	[tilespmem:v22+s2+$0x0] =	vst.idx.msk vm5, v9  }
0x54: {  	vm4 =	vgt.s32 v14, $0x1F7;
	[tilespmem:v23+s2+$0x0] =	vst.idx.msk vm6, v9  }
0x55: {  	vm5 =	vgt.s32 v11, $0x1F7;
	[tilespmem:v24+s2+$0x0] =	vst.idx.msk vm7, v9  }
0x56: {  	v15 =	vimm.s32 $0x0;
	vm6 =	vgt.s32 v12, $0x1F7;
	[tilespmem:v26+s2+$0x0] =	vst.idx.msk vm9, v0  }
0x57: {  	v15 =	vsel vm9, $0xFFFFFFFF, v15;
	vm9 =	vgt.s32 v10, $0x1F7;
	[tilespmem:v27+s2+$0x0] =	vst.idx.msk vm1, v0  }
0x58: {  	[tilespmem:v28+s2+$0x0] =	vst.idx.msk vm2, v0  }
0x59: {  	[tilespmem:v29+s2+$0x0] =	vst.idx.msk vm3, v0  }
0x5a: {  	[tilespmem:v30+s2+$0x0] =	vst.idx.msk vm4, v0  }
0x5b: {  	[tilespmem:v31+s2+$0x0] =	vst.idx.msk vm5, v0  }
0x5c: {  	[tilespmem:v32+s2+$0x0] =	vst.idx.msk vm6, v0  }
0x5d: {  	s16 =	sadd.s32 $0xFC080, s13;
	[tilespmem:v33+s2+$0x0] =	vst.idx.msk vm9, v0  }
0x5e: {  	[hbm4b:s16+s11] =	stream.strided.scatter [tilespmem:s3], [sflag:$0x2], $0xF800, s12, s11, $0x38;
	[tilespmem:$0x1F600] =	vst v63  }
0x5f: {  	v17 =	vld [tilespmem:$0x170]  }
0x60: {  	v18 =	vld [tilespmem:$0x140]  }
0x61: {  	v19 =	vld [tilespmem:$0x150]  }
0x62: {  	v20 =	vld [tilespmem:$0x160]  }
0x63: {  	v21 =	vld [tilespmem:$0x130]  }
0x64: {  	v22 =	vld [tilespmem:$0x110]  }
0x65: {  	[tilespmem:$0x1FFD0] =	vst v15;
	v23 =	vld [tilespmem:$0x120]  }
0x66: {  	v24 =	vld [tilespmem:$0x100];
	_ =	swait.ge [sflag:s8], $0xFC00  }
0x67: {  	[sflag:s8] =	ssyncset.done $0x0  }
0x68: {  	[sflag:s8] =	ssyncadd.s32 $0xFFFF0400  }
0x69: {  	[tilespmem:v26+s2+$0x0] =	vst.idx.msk vm8, v9  }
0x6a: {  	[tilespmem:v27+s2+$0x0] =	vst.idx.msk vm10, v9  }
0x6b: {  	v11 =	vimm.s32 $0x0;
	vm7 =	vlt.s32 v24, $0x1F8;
	[tilespmem:v28+s2+$0x0] =	vst.idx.msk vm11, v9  }
0x6c: {  	v10 =	vshll.u32 v24, $0x7;
	v11 =	vsel vm7, $0xFFFFFFFF, v11;
	[tilespmem:v29+s2+$0x0] =	vst.idx.msk vm13, v9  }
0x6d: {  	vm10 =	vlt.s32 v22, $0x1F8;
	v34 =	vor.u32 v1, v10;
	[tilespmem:$0x1FFE0] =	vst v11;
	v11 =	vshll.u32 v22, $0x7  }
0x6e: {  	v12 =	vshll.u32 v23, $0x7;
	vm11 =	vlt.s32 v23, $0x1F8;
	[tilespmem:v30+s2+$0x0] =	vst.idx.msk vm12, v9;
	v10 =	vor.u32 v2, v11  }
0x6f: {  	v13 =	vshll.u32 v21, $0x7;
	vm12 =	vlt.s32 v21, $0x1F8;
	[tilespmem:v31+s2+$0x0] =	vst.idx.msk vm14, v9;
	v11 =	vor.u32 v3, v12  }
0x70: {  	v14 =	vshll.u32 v18, $0x7;
	vm13 =	vlt.s32 v18, $0x1F8;
	v12 =	vor.u32 v4, v13;
	[tilespmem:v32+s2+$0x0] =	vst.idx.msk vm15, v9  }
0x71: {  	v15 =	vshll.u32 v19, $0x7;
	vm14 =	vlt.s32 v19, $0x1F8;
	v13 =	vor.u32 v5, v14;
	[tilespmem:v33+s2+$0x0] =	vst.idx.msk vm0, v9  }
0x72: {  	v16 =	vshll.u32 v20, $0x7;
	v14 =	vor.u32 v6, v15;
	vm15 =	vlt.s32 v20, $0x1F8;
	[tilespmem:v34+s2+$0x0] =	vst.idx.msk vm7, v0  }
0x73: {  	v25 =	vshll.u32 v17, $0x7;
	v15 =	vor.u32 v7, v16;
	vm7 =	vlt.s32 v17, $0x1F8;
	[tilespmem:v10+s2+$0x0] =	vst.idx.msk vm10, v0  }
0x74: {  	v16 =	vor.u32 v8, v25;
	[tilespmem:v11+s2+$0x0] =	vst.idx.msk vm11, v0  }
0x75: {  	[tilespmem:v12+s2+$0x0] =	vst.idx.msk vm12, v0  }
0x76: {  	[tilespmem:v13+s2+$0x0] =	vst.idx.msk vm13, v0  }
0x77: {  	[tilespmem:v14+s2+$0x0] =	vst.idx.msk vm14, v0  }
0x78: {  	[tilespmem:v15+s2+$0x0] =	vst.idx.msk vm15, v0  }
0x79: {  	s17 =	sadd.s32 $0x100, s13;
	[tilespmem:v16+s2+$0x0] =	vst.idx.msk vm7, v0  }
0x7a: {  	[hbm4b:s17+s11] =	stream.strided.scatter [tilespmem:s2], [sflag:$0x1], $0xFC00, s12, s11, $0x38;
	[tilespmem:$0x1F600] =	vst v63  }
0x7b: {  	_ =	swait.ge [sflag:s10], $0xF800  }
0x7c: {  	v25 =	vld [tilespmem:$0x1FFD0];
	_ =	sdelay $0x4  }
0x7d: {  	vm0 =	vnez.u8 v25;
	_ =	sdelay $0x3  }
0x7e: {  	[sflag:s10] =	ssyncset.done $0x0  }
0x7f: {  	[sflag:s10] =	ssyncadd.s32 $0xFFFF0800  }
0x80: {  	[tilespmem:v26+s2+$0x0] =	vst.idx.msk vm0, v9  }
0x81: {  	[tilespmem:v27+s2+$0x0] =	vst.idx.msk vm1, v9  }
0x82: {  	vm0 =	vgt.s32 v24, $0x1F7;
	[tilespmem:v28+s2+$0x0] =	vst.idx.msk vm2, v9  }
0x83: {  	vm8 =	vgt.s32 v22, $0x1F7;
	[tilespmem:v29+s2+$0x0] =	vst.idx.msk vm3, v9  }
0x84: {  	vm1 =	vgt.s32 v23, $0x1F7;
	[tilespmem:v30+s2+$0x0] =	vst.idx.msk vm4, v9  }
0x85: {  	vm2 =	vgt.s32 v21, $0x1F7;
	[tilespmem:v31+s2+$0x0] =	vst.idx.msk vm5, v9  }
0x86: {  	vm3 =	vgt.s32 v18, $0x1F7;
	[tilespmem:v32+s2+$0x0] =	vst.idx.msk vm6, v9  }
0x87: {  	vm4 =	vgt.s32 v19, $0x1F7;
	[tilespmem:v33+s2+$0x0] =	vst.idx.msk vm9, v9  }
0x88: {  	vm5 =	vgt.s32 v20, $0x1F7;
	[tilespmem:v34+s2+$0x0] =	vst.idx.msk vm0, v0  }
0x89: {  	vm6 =	vgt.s32 v17, $0x1F7;
	[tilespmem:v10+s2+$0x0] =	vst.idx.msk vm8, v0  }
0x8a: {  	[tilespmem:v11+s2+$0x0] =	vst.idx.msk vm1, v0  }
0x8b: {  	[tilespmem:v12+s2+$0x0] =	vst.idx.msk vm2, v0  }
0x8c: {  	[tilespmem:v13+s2+$0x0] =	vst.idx.msk vm3, v0  }
0x8d: {  	[tilespmem:v14+s2+$0x0] =	vst.idx.msk vm4, v0  }
0x8e: {  	[tilespmem:v15+s2+$0x0] =	vst.idx.msk vm5, v0  }
0x8f: {  	s18 =	sadd.s32 $0xFC100, s13;
	[tilespmem:v16+s2+$0x0] =	vst.idx.msk vm6, v0  }
0x90: {  	[hbm4b:s18+s11] =	stream.strided.scatter [tilespmem:s3], [sflag:$0x2], $0xF800, s12, s11, $0x38;
	[tilespmem:$0x1F600] =	vst v63  }
0x91: {  	v18 =	vld [tilespmem:$0x1C0]  }
0x92: {  	v22 =	vld [tilespmem:$0x1B0]  }
0x93: {  	v17 =	vld [tilespmem:$0x1F0]  }
0x94: {  	v20 =	vld [tilespmem:$0x1D0]  }
0x95: {  	v24 =	vimm.s32 $0x0;
	v19 =	vld [tilespmem:$0x1E0]  }
0x96: {  	v24 =	vsel vm0, $0xFFFFFFFF, v24;
	v21 =	vld [tilespmem:$0x180]  }
0x97: {  	[tilespmem:$0x1FFF0] =	vst v24;
	v24 =	vld [tilespmem:$0x190]  }
0x98: {  	v23 =	vld [tilespmem:$0x1A0];
	_ =	swait.ge [sflag:s8], $0xFC00  }
0x99: {  	v25 =	vld [tilespmem:$0x1FFE0];
	_ =	sdelay $0x4  }
0x9a: {  	vm0 =	vnez.u8 v25;
	_ =	sdelay $0x3  }
0x9b: {  	[sflag:s8] =	ssyncset.done $0x0  }
0x9c: {  	[sflag:s8] =	ssyncadd.s32 $0xFFFF0400  }
0x9d: {  	[tilespmem:v34+s2+$0x0] =	vst.idx.msk vm0, v9  }
0x9e: {  	[tilespmem:v10+s2+$0x0] =	vst.idx.msk vm10, v9  }
0x9f: {  	v25 =	vshll.u32 v21, $0x7;
	vm0 =	vlt.s32 v21, $0x1F8;
	[tilespmem:v11+s2+$0x0] =	vst.idx.msk vm11, v9  }
0xa0: {  	v26 =	vshll.u32 v24, $0x7;
	vm9 =	vlt.s32 v24, $0x1F8;
	v25 =	vor.u32 v1, v25;
	[tilespmem:v12+s2+$0x0] =	vst.idx.msk vm12, v9  }
0xa1: {  	v27 =	vshll.u32 v23, $0x7;
	v26 =	vor.u32 v2, v26;
	vm10 =	vlt.s32 v23, $0x1F8;
	[tilespmem:v13+s2+$0x0] =	vst.idx.msk vm13, v9  }
0xa2: {  	v28 =	vshll.u32 v22, $0x7;
	v27 =	vor.u32 v3, v27;
	vm11 =	vlt.s32 v22, $0x1F8;
	[tilespmem:v14+s2+$0x0] =	vst.idx.msk vm14, v9  }
0xa3: {  	v29 =	vshll.u32 v18, $0x7;
	v28 =	vor.u32 v4, v28;
	vm12 =	vlt.s32 v18, $0x1F8;
	[tilespmem:v15+s2+$0x0] =	vst.idx.msk vm15, v9  }
0xa4: {  	v30 =	vshll.u32 v20, $0x7;
	v29 =	vor.u32 v5, v29;
	[tilespmem:v16+s2+$0x0] =	vst.idx.msk vm7, v9;
	vm7 =	vlt.s32 v20, $0x1F8  }
0xa5: {  	v31 =	vshll.u32 v19, $0x7;
	v30 =	vor.u32 v6, v30;
	[tilespmem:v25+s2+$0x0] =	vst.idx.msk vm0, v0;
	vm0 =	vlt.s32 v19, $0x1F8  }
0xa6: {  	v62 =	vshll.u32 v17, $0x7;
	v31 =	vor.u32 v7, v31;
	[tilespmem:v26+s2+$0x0] =	vst.idx.msk vm9, v0;
	vm9 =	vlt.s32 v17, $0x1F8  }
0xa7: {  	v32 =	vor.u32 v8, v62;
	[tilespmem:v27+s2+$0x0] =	vst.idx.msk vm10, v0  }
0xa8: {  	[tilespmem:v28+s2+$0x0] =	vst.idx.msk vm11, v0  }
0xa9: {  	[tilespmem:v29+s2+$0x0] =	vst.idx.msk vm12, v0  }
0xaa: {  	[tilespmem:v30+s2+$0x0] =	vst.idx.msk vm7, v0  }
0xab: {  	[tilespmem:v31+s2+$0x0] =	vst.idx.msk vm0, v0  }
0xac: {  	s20 =	sadd.s32 $0x180, s13;
	[tilespmem:v32+s2+$0x0] =	vst.idx.msk vm9, v0  }
0xad: {  	[hbm4b:s20+s11] =	stream.strided.scatter [tilespmem:s2], [sflag:$0x1], $0xFC00, s12, s11, $0x38;
	[tilespmem:$0x1F600] =	vst v63  }
0xae: {  	_ =	swait.ge [sflag:s10], $0xF800  }
0xaf: {  	v63 =	vld [tilespmem:$0x1FFF0];
	_ =	sdelay $0x1  }
0xb0: {  	s19 =	ssub.s32 $0x2, s19  }
0xb1: {  	s21 =	sshrl.u32 s19, $0x1  }
0xb2: {  	s19 =	ssub.s32 s19, s21  }
0xb3: {  	s21 =	smax.u32 s19, $0x1;
	vm0 =	vnez.u8 v63  }
0xb4: {  	p0 =	sne.s32 s21, $0x1  }
.Ltmp0:
0xb5: {  	_ = 	snop;
	(pc) =	sbr.rel @!p0 .LBB2_2-.Ltmp0, $4  }
0xb6: {  	_ = 	snop  }
0xb7: {  	[sflag:s10] =	ssyncset.done $0x0  }
0xb8: {  	[sflag:s10] =	ssyncadd.s32 $0xFFFF0800  }
0xb9: {  	s19 =	sadd.s32 $0xFC180, s13;
	s21 =	sadd.s32 $0xFFFFFFFF, s21;
	vm14 =	vgt.s32 v21, $0x1F7;
	[tilespmem:v34+s2+$0x0] =	vst.idx.msk vm0, v9  }
.LBB2_1:
0xba: {  	[tilespmem:v10+s2+$0x0] =	vst.idx.msk vm8, v9  }
0xbb: {  	[tilespmem:v11+s2+$0x0] =	vst.idx.msk vm1, v9  }
0xbc: {  	vm0 =	vgt.s32 v24, $0x1F7;
	[tilespmem:v12+s2+$0x0] =	vst.idx.msk vm2, v9  }
0xbd: {  	vm1 =	vgt.s32 v23, $0x1F7;
	[tilespmem:v13+s2+$0x0] =	vst.idx.msk vm3, v9  }
0xbe: {  	vm2 =	vgt.s32 v22, $0x1F7;
	[tilespmem:v14+s2+$0x0] =	vst.idx.msk vm4, v9  }
0xbf: {  	vm3 =	vgt.s32 v18, $0x1F7;
	[tilespmem:v15+s2+$0x0] =	vst.idx.msk vm5, v9  }
0xc0: {  	vm4 =	vgt.s32 v20, $0x1F7;
	[tilespmem:v16+s2+$0x0] =	vst.idx.msk vm6, v9  }
0xc1: {  	vm5 =	vgt.s32 v19, $0x1F7;
	[tilespmem:v25+s2+$0x0] =	vst.idx.msk vm14, v0  }
0xc2: {  	vm6 =	vgt.s32 v17, $0x1F7;
	[tilespmem:v26+s2+$0x0] =	vst.idx.msk vm0, v0  }
0xc3: {  	[tilespmem:v27+s2+$0x0] =	vst.idx.msk vm1, v0  }
0xc4: {  	[tilespmem:v28+s2+$0x0] =	vst.idx.msk vm2, v0  }
0xc5: {  	[tilespmem:v29+s2+$0x0] =	vst.idx.msk vm3, v0  }
0xc6: {  	[tilespmem:v30+s2+$0x0] =	vst.idx.msk vm4, v0  }
0xc7: {  	[tilespmem:v31+s2+$0x0] =	vst.idx.msk vm5, v0  }
0xc8: {  	[tilespmem:v32+s2+$0x0] =	vst.idx.msk vm6, v0  }
0xc9: {  	[hbm4b:s19+s11] =	stream.strided.scatter [tilespmem:s3], [sflag:$0x2], $0xF800, s12, s11, $0x38;
	[tilespmem:$0x1F600] =	vst v63  }
0xca: {  	_ =	swait.ge [sflag:s8], $0xFC00  }
0xcb: {  	[sflag:s8] =	ssyncset.done $0x0  }
0xcc: {  	[sflag:s8] =	ssyncadd.s32 $0xFFFF0400  }
0xcd: {  	_ =	swait.ge [sflag:s10], $0xF800  }
0xce: {  	[sflag:s10] =	ssyncset.done $0x0  }
0xcf: {  	[sflag:s10] =	ssyncadd.s32 $0xFFFF0800  }
0xd0: {  	[tilespmem:s2], [sflag:$0x1] =	stream.linear.gather [hbm4b:s5+s4], $0xFC00, $0x38;
	[tilespmem:$0x1F600] =	vst v63  }
0xd1: {  	_ = 	snop  }
0xd2: {  	[tilespmem:s3], [sflag:$0x2] =	stream.linear.gather [hbm4b:s6+s4], $0xF800, $0x38;
	[tilespmem:$0x1F600] =	vst v63  }
0xd3: {  	_ = 	snop  }
0xd4: {  	[tilespmem:s4], [sflag:$0x3] =	stream.linear.gather [hbm4b:s7+s4], $0x200, $0x38;
	[tilespmem:$0x1F600] =	vst v63  }
0xd5: {  	_ =	swait.ge [sflag:s9], $0x200  }
0xd6: {  	[sflag:s9] =	ssyncset.done $0x0  }
0xd7: {  	[sflag:s9] =	ssyncadd.s32 $0xFFFFFE00  }
0xd8: {  	v17 =	vld [tilespmem:$0x0]  }
0xd9: {  	v18 =	vld [tilespmem:$0x10]  }
0xda: {  	v19 =	vld [tilespmem:$0x20]  }
0xdb: {  	v20 =	vld [tilespmem:$0x30];
	_ =	sdelay $0x1  }
0xdc: {  	v22 =	vld [tilespmem:$0x40]  }
0xdd: {  	vm9 =	vlt.s32 v17, $0x1F8;
	v10 =	vshll.u32 v17, $0x7  }
0xde: {  	vm12 =	vlt.s32 v18, $0x1F8;
	v11 =	vshll.u32 v18, $0x7;
	vm8 =	vlt.s32 v19, $0x1F8  }
0xdf: {  	v23 =	vld [tilespmem:$0x50];
	v12 =	vshll.u32 v19, $0x7;
	vm10 =	vlt.s32 v20, $0x1F8;
	v13 =	vshll.u32 v20, $0x7  }
0xe0: {  	v24 =	vld [tilespmem:$0x60];
	vm2 =	vgt.s32 v17, $0x1F7;
	v17 =	vimm.s32 $0x0;
	v10 =	vor.u32 v1, v10  }
0xe1: {  	v25 =	vld [tilespmem:$0x70];
	_ =	swait.ge [sflag:s8], $0xFC00;
	vm11 =	vlt.s32 v22, $0x1F8;
	v11 =	vor.u32 v2, v11;
	v17 =	vsel vm2, $0xFFFFFFFF, v17  }
0xe2: {  	vm3 =	vgt.s32 v20, $0x1F7;
	v12 =	vor.u32 v3, v12;
	[tilespmem:$0x1FF50] =	vst v17;
	v17 =	vimm.s32 $0x0  }
0xe3: {  	[sflag:s8] =	ssyncset.done $0x0;
	v14 =	vshll.u32 v22, $0x7;
	v13 =	vor.u32 v4, v13;
	v17 =	vsel vm3, $0xFFFFFFFF, v17  }
0xe4: {  	[sflag:s8] =	ssyncadd.s32 $0xFFFF0400;
	vm13 =	vlt.s32 v23, $0x1F8;
	v15 =	vshll.u32 v23, $0x7;
	v14 =	vor.u32 v5, v14;
	[tilespmem:$0x1FF60] =	vst v17  }
0xe5: {  	vm0 =	vlt.s32 v24, $0x1F8;
	v16 =	vshll.u32 v24, $0x7;
	v15 =	vor.u32 v6, v15;
	[tilespmem:v10+s2+$0x0] =	vst.idx.msk vm9, v0  }
0xe6: {  	vm1 =	vlt.s32 v25, $0x1F8;
	v21 =	vshll.u32 v25, $0x7;
	v16 =	vor.u32 v7, v16;
	[tilespmem:v11+s2+$0x0] =	vst.idx.msk vm12, v0  }
0xe7: {  	v21 =	vor.u32 v8, v21;
	[tilespmem:v12+s2+$0x0] =	vst.idx.msk vm8, v0  }
0xe8: {  	[tilespmem:v13+s2+$0x0] =	vst.idx.msk vm10, v0  }
0xe9: {  	[tilespmem:v14+s2+$0x0] =	vst.idx.msk vm11, v0  }
0xea: {  	[tilespmem:v15+s2+$0x0] =	vst.idx.msk vm13, v0  }
0xeb: {  	[tilespmem:v16+s2+$0x0] =	vst.idx.msk vm0, v0  }
0xec: {  	vm15 =	vgt.s32 v18, $0x1F7;
	[tilespmem:v21+s2+$0x0] =	vst.idx.msk vm1, v0  }
0xed: {  	vm14 =	vgt.s32 v19, $0x1F7;
	[hbm4b:s13+s11] =	stream.strided.scatter [tilespmem:s2], [sflag:$0x1], $0xFC00, s12, s11, $0x38;
	[tilespmem:$0x1F600] =	vst v63  }
0xee: {  	_ =	swait.ge [sflag:s10], $0xF800  }
0xef: {  	vm4 =	vgt.s32 v22, $0x1F7;
	[sflag:s10] =	ssyncset.done $0x0  }
0xf0: {  	vm5 =	vgt.s32 v23, $0x1F7;
	[sflag:s10] =	ssyncadd.s32 $0xFFFF0800  }
0xf1: {  	vm6 =	vgt.s32 v24, $0x1F7;
	[tilespmem:v10+s2+$0x0] =	vst.idx.msk vm2, v0  }
0xf2: {  	vm7 =	vgt.s32 v25, $0x1F7;
	[tilespmem:v11+s2+$0x0] =	vst.idx.msk vm15, v0  }
0xf3: {  	[tilespmem:v12+s2+$0x0] =	vst.idx.msk vm14, v0  }
0xf4: {  	[tilespmem:v13+s2+$0x0] =	vst.idx.msk vm3, v0  }
0xf5: {  	[tilespmem:v14+s2+$0x0] =	vst.idx.msk vm4, v0  }
0xf6: {  	[tilespmem:v15+s2+$0x0] =	vst.idx.msk vm5, v0  }
0xf7: {  	[tilespmem:v16+s2+$0x0] =	vst.idx.msk vm6, v0  }
0xf8: {  	[tilespmem:v21+s2+$0x0] =	vst.idx.msk vm7, v0  }
0xf9: {  	[hbm4b:s14+s11] =	stream.strided.scatter [tilespmem:s3], [sflag:$0x2], $0xF800, s12, s11, $0x38;
	[tilespmem:$0x1F600] =	vst v63  }
0xfa: {  	v26 =	vld [tilespmem:$0xF0]  }
0xfb: {  	v27 =	vld [tilespmem:$0xD0]  }
0xfc: {  	v28 =	vld [tilespmem:$0xE0]  }
0xfd: {  	v29 =	vld [tilespmem:$0xB0]  }
0xfe: {  	v17 =	vimm.s32 $0x0;
	v30 =	vld [tilespmem:$0xC0]  }
0xff: {  	v17 =	vsel vm4, $0xFFFFFFFF, v17;
	v31 =	vld [tilespmem:$0xA0]  }
0x100: {  	[tilespmem:$0x1FF70] =	vst v17;
	v57 =	vld [tilespmem:$0x80]  }
0x101: {  	v33 =	vld [tilespmem:$0x90];
	_ =	swait.ge [sflag:s8], $0xFC00  }
0x102: {  	[sflag:s8] =	ssyncset.done $0x0  }
0x103: {  	[sflag:s8] =	ssyncadd.s32 $0xFFFF0400  }
0x104: {  	[tilespmem:v10+s2+$0x0] =	vst.idx.msk vm9, v9  }
0x105: {  	vm2 =	vmmov vm5;
	[tilespmem:v11+s2+$0x0] =	vst.idx.msk vm12, v9  }
0x106: {  	vm3 =	vmmov vm6;
	v17 =	vshll.u32 v57, $0x7;
	vm12 =	vlt.s32 v57, $0x1F8;
	[tilespmem:v12+s2+$0x0] =	vst.idx.msk vm8, v9  }
0x107: {  	v18 =	vshll.u32 v33, $0x7;
	vm9 =	vlt.s32 v33, $0x1F8;
	[tilespmem:v13+s2+$0x0] =	vst.idx.msk vm10, v9;
	v17 =	vor.u32 v1, v17  }
0x108: {  	v19 =	vshll.u32 v31, $0x7;
	vm8 =	vlt.s32 v31, $0x1F8;
	v18 =	vor.u32 v2, v18;
	[tilespmem:v14+s2+$0x0] =	vst.idx.msk vm11, v9  }
0x109: {  	v20 =	vshll.u32 v29, $0x7;
	vm10 =	vlt.s32 v29, $0x1F8;
	v19 =	vor.u32 v3, v19;
	[tilespmem:v15+s2+$0x0] =	vst.idx.msk vm13, v9  }
0x10a: {  	v22 =	vshll.u32 v30, $0x7;
	v20 =	vor.u32 v4, v20;
	vm11 =	vlt.s32 v30, $0x1F8;
	[tilespmem:v16+s2+$0x0] =	vst.idx.msk vm0, v9  }
0x10b: {  	v23 =	vshll.u32 v27, $0x7;
	v22 =	vor.u32 v5, v22;
	vm13 =	vlt.s32 v27, $0x1F8;
	[tilespmem:v21+s2+$0x0] =	vst.idx.msk vm1, v9  }
0x10c: {  	v24 =	vshll.u32 v28, $0x7;
	vm6 =	vlt.s32 v28, $0x1F8;
	v23 =	vor.u32 v6, v23;
	[tilespmem:v17+s2+$0x0] =	vst.idx.msk vm12, v0  }
0x10d: {  	v25 =	vshll.u32 v26, $0x7;
	vm5 =	vlt.s32 v26, $0x1F8;
	v24 =	vor.u32 v7, v24;
	[tilespmem:v18+s2+$0x0] =	vst.idx.msk vm9, v0  }
0x10e: {  	v25 =	vor.u32 v8, v25;
	[tilespmem:v19+s2+$0x0] =	vst.idx.msk vm8, v0  }
0x10f: {  	[tilespmem:v20+s2+$0x0] =	vst.idx.msk vm10, v0  }
0x110: {  	[tilespmem:v22+s2+$0x0] =	vst.idx.msk vm11, v0  }
0x111: {  	[tilespmem:v23+s2+$0x0] =	vst.idx.msk vm13, v0  }
0x112: {  	[tilespmem:v24+s2+$0x0] =	vst.idx.msk vm6, v0  }
0x113: {  	[tilespmem:v25+s2+$0x0] =	vst.idx.msk vm5, v0  }
0x114: {  	[hbm4b:s15+s11] =	stream.strided.scatter [tilespmem:s2], [sflag:$0x1], $0xFC00, s12, s11, $0x38;
	[tilespmem:$0x1F600] =	vst v63  }
0x115: {  	_ =	swait.ge [sflag:s10], $0xF800  }
0x116: {  	v34 =	vld [tilespmem:$0x1FF50];
	_ =	sdelay $0x4  }
0x117: {  	vm0 =	vnez.u8 v34;
	_ =	sdelay $0x3  }
0x118: {  	[sflag:s10] =	ssyncset.done $0x0  }
0x119: {  	[sflag:s10] =	ssyncadd.s32 $0xFFFF0800  }
0x11a: {  	vm4 =	vgt.s32 v57, $0x1F7;
	[tilespmem:v10+s2+$0x0] =	vst.idx.msk vm0, v9;
	v10 =	vimm.s32 $0x0  }
0x11b: {  	[tilespmem:v11+s2+$0x0] =	vst.idx.msk vm15, v9;
	v10 =	vsel vm4, $0xFFFFFFFF, v10  }
0x11c: {  	vm15 =	vgt.s32 v33, $0x1F7;
	[tilespmem:$0x1FF80] =	vst v10;
	v10 =	vimm.s32 $0x0  }
0x11d: {  	v10 =	vsel vm15, $0xFFFFFFFF, v10  }
0x11e: {  	[tilespmem:$0x1FF90] =	vst v10;
	v10 =	vld [tilespmem:$0x1FF60];
	_ =	sdelay $0x4  }
0x11f: {  	vm0 =	vnez.u8 v10;
	_ =	sdelay $0x4  }
0x120: {  	[tilespmem:v12+s2+$0x0] =	vst.idx.msk vm14, v9  }
0x121: {  	v10 =	vimm.s32 $0x0;
	[tilespmem:v13+s2+$0x0] =	vst.idx.msk vm0, v9;
	vm0 =	vgt.s32 v31, $0x1F7  }
0x122: {  	v10 =	vsel vm0, $0xFFFFFFFF, v10  }
0x123: {  	[tilespmem:$0x1FFA0] =	vst v10;
	v10 =	vld [tilespmem:$0x1FF70];
	_ =	sdelay $0x4  }
0x124: {  	vm1 =	vnez.u8 v10;
	_ =	sdelay $0x5  }
0x125: {  	[tilespmem:v14+s2+$0x0] =	vst.idx.msk vm1, v9  }
0x126: {  	vm1 =	vgt.s32 v29, $0x1F7;
	[tilespmem:v15+s2+$0x0] =	vst.idx.msk vm2, v9  }
0x127: {  	vm2 =	vgt.s32 v30, $0x1F7;
	[tilespmem:v16+s2+$0x0] =	vst.idx.msk vm3, v9  }
0x128: {  	vm3 =	vgt.s32 v27, $0x1F7;
	[tilespmem:v21+s2+$0x0] =	vst.idx.msk vm7, v9  }
0x129: {  	vm7 =	vgt.s32 v28, $0x1F7;
	[tilespmem:v17+s2+$0x0] =	vst.idx.msk vm4, v0  }
0x12a: {  	vm14 =	vgt.s32 v26, $0x1F7;
	[tilespmem:v18+s2+$0x0] =	vst.idx.msk vm15, v0  }
0x12b: {  	[tilespmem:v19+s2+$0x0] =	vst.idx.msk vm0, v0  }
0x12c: {  	[tilespmem:v20+s2+$0x0] =	vst.idx.msk vm1, v0  }
0x12d: {  	[tilespmem:v22+s2+$0x0] =	vst.idx.msk vm2, v0  }
0x12e: {  	[tilespmem:v23+s2+$0x0] =	vst.idx.msk vm3, v0  }
0x12f: {  	[tilespmem:v24+s2+$0x0] =	vst.idx.msk vm7, v0  }
0x130: {  	[tilespmem:v25+s2+$0x0] =	vst.idx.msk vm14, v0  }
0x131: {  	[hbm4b:s16+s11] =	stream.strided.scatter [tilespmem:s3], [sflag:$0x2], $0xF800, s12, s11, $0x38;
	[tilespmem:$0x1F600] =	vst v63  }
0x132: {  	v26 =	vld [tilespmem:$0x170]  }
0x133: {  	v27 =	vld [tilespmem:$0x140]  }
0x134: {  	v28 =	vld [tilespmem:$0x150]  }
0x135: {  	v29 =	vld [tilespmem:$0x160]  }
0x136: {  	v30 =	vld [tilespmem:$0x130]  }
0x137: {  	v31 =	vld [tilespmem:$0x110]  }
0x138: {  	v58 =	vld [tilespmem:$0x120]  }
0x139: {  	v59 =	vld [tilespmem:$0x100];
	_ =	swait.ge [sflag:s8], $0xFC00  }
0x13a: {  	[sflag:s8] =	ssyncset.done $0x0  }
0x13b: {  	[sflag:s8] =	ssyncadd.s32 $0xFFFF0400  }
0x13c: {  	[tilespmem:v17+s2+$0x0] =	vst.idx.msk vm12, v9  }
0x13d: {  	[tilespmem:v18+s2+$0x0] =	vst.idx.msk vm9, v9  }
0x13e: {  	v10 =	vimm.s32 $0x0;
	vm4 =	vmmov vm7;
	vm0 =	vlt.s32 v31, $0x1F8;
	[tilespmem:v19+s2+$0x0] =	vst.idx.msk vm8, v9  }
0x13f: {  	v21 =	vshll.u32 v59, $0x7;
	vm7 =	vlt.s32 v59, $0x1F8;
	v10 =	vsel vm0, $0xFFFFFFFF, v10;
	[tilespmem:v20+s2+$0x0] =	vst.idx.msk vm10, v9  }
0x140: {  	v21 =	vor.u32 v1, v21;
	[tilespmem:$0x1FFB0] =	vst v10;
	v10 =	vshll.u32 v31, $0x7  }
0x141: {  	v11 =	vshll.u32 v58, $0x7;
	vm15 =	vlt.s32 v58, $0x1F8;
	[tilespmem:v22+s2+$0x0] =	vst.idx.msk vm11, v9;
	v10 =	vor.u32 v2, v10  }
0x142: {  	v12 =	vshll.u32 v30, $0x7;
	vm9 =	vlt.s32 v30, $0x1F8;
	v11 =	vor.u32 v3, v11;
	[tilespmem:v23+s2+$0x0] =	vst.idx.msk vm13, v9  }
0x143: {  	v13 =	vshll.u32 v27, $0x7;
	vm10 =	vlt.s32 v27, $0x1F8;
	v12 =	vor.u32 v4, v12;
	[tilespmem:v24+s2+$0x0] =	vst.idx.msk vm6, v9  }
0x144: {  	v14 =	vshll.u32 v28, $0x7;
	v13 =	vor.u32 v5, v13;
	vm11 =	vlt.s32 v28, $0x1F8;
	[tilespmem:v25+s2+$0x0] =	vst.idx.msk vm5, v9  }
0x145: {  	v15 =	vshll.u32 v29, $0x7;
	vm12 =	vlt.s32 v29, $0x1F8;
	v14 =	vor.u32 v6, v14;
	[tilespmem:v21+s2+$0x0] =	vst.idx.msk vm7, v0  }
0x146: {  	v16 =	vshll.u32 v26, $0x7;
	v15 =	vor.u32 v7, v15;
	vm13 =	vlt.s32 v26, $0x1F8;
	[tilespmem:v10+s2+$0x0] =	vst.idx.msk vm0, v0  }
0x147: {  	v16 =	vor.u32 v8, v16;
	[tilespmem:v11+s2+$0x0] =	vst.idx.msk vm15, v0  }
0x148: {  	[tilespmem:v12+s2+$0x0] =	vst.idx.msk vm9, v0  }
0x149: {  	[tilespmem:v13+s2+$0x0] =	vst.idx.msk vm10, v0  }
0x14a: {  	[tilespmem:v14+s2+$0x0] =	vst.idx.msk vm11, v0  }
0x14b: {  	[tilespmem:v15+s2+$0x0] =	vst.idx.msk vm12, v0  }
0x14c: {  	[tilespmem:v16+s2+$0x0] =	vst.idx.msk vm13, v0  }
0x14d: {  	[hbm4b:s17+s11] =	stream.strided.scatter [tilespmem:s2], [sflag:$0x1], $0xFC00, s12, s11, $0x38;
	[tilespmem:$0x1F600] =	vst v63  }
0x14e: {  	_ =	swait.ge [sflag:s10], $0xF800  }
0x14f: {  	v60 =	vld [tilespmem:$0x1FF80];
	_ =	sdelay $0x4  }
0x150: {  	vm0 =	vnez.u8 v60;
	_ =	sdelay $0x3  }
0x151: {  	[sflag:s10] =	ssyncset.done $0x0  }
0x152: {  	[sflag:s10] =	ssyncadd.s32 $0xFFFF0800  }
0x153: {  	[tilespmem:v17+s2+$0x0] =	vst.idx.msk vm0, v9;
	v17 =	vld [tilespmem:$0x1FF90];
	_ =	sdelay $0x4  }
0x154: {  	vm6 =	vgt.s32 v59, $0x1F7;
	vm0 =	vnez.u8 v17;
	v17 =	vimm.s32 $0x0  }
0x155: {  	v17 =	vsel vm6, $0xFFFFFFFF, v17  }
0x156: {  	[tilespmem:$0x1FFC0] =	vst v17;
	v17 =	vld [tilespmem:$0x1FFA0];
	_ =	sdelay $0x4  }
0x157: {  	[tilespmem:v18+s2+$0x0] =	vst.idx.msk vm0, v9;
	vm0 =	vnez.u8 v17;
	_ =	sdelay $0x5  }
0x158: {  	[tilespmem:v19+s2+$0x0] =	vst.idx.msk vm0, v9  }
0x159: {  	vm8 =	vgt.s32 v31, $0x1F7;
	[tilespmem:v20+s2+$0x0] =	vst.idx.msk vm1, v9  }
0x15a: {  	vm1 =	vgt.s32 v58, $0x1F7;
	[tilespmem:v22+s2+$0x0] =	vst.idx.msk vm2, v9  }
0x15b: {  	vm2 =	vgt.s32 v30, $0x1F7;
	[tilespmem:v23+s2+$0x0] =	vst.idx.msk vm3, v9  }
0x15c: {  	vm3 =	vgt.s32 v27, $0x1F7;
	[tilespmem:v24+s2+$0x0] =	vst.idx.msk vm4, v9  }
0x15d: {  	vm4 =	vgt.s32 v28, $0x1F7;
	[tilespmem:v25+s2+$0x0] =	vst.idx.msk vm14, v9  }
0x15e: {  	vm5 =	vgt.s32 v29, $0x1F7;
	[tilespmem:v21+s2+$0x0] =	vst.idx.msk vm6, v0  }
0x15f: {  	vm6 =	vgt.s32 v26, $0x1F7;
	[tilespmem:v10+s2+$0x0] =	vst.idx.msk vm8, v0  }
0x160: {  	[tilespmem:v11+s2+$0x0] =	vst.idx.msk vm1, v0  }
0x161: {  	[tilespmem:v12+s2+$0x0] =	vst.idx.msk vm2, v0  }
0x162: {  	[tilespmem:v13+s2+$0x0] =	vst.idx.msk vm3, v0  }
0x163: {  	[tilespmem:v14+s2+$0x0] =	vst.idx.msk vm4, v0  }
0x164: {  	[tilespmem:v15+s2+$0x0] =	vst.idx.msk vm5, v0  }
0x165: {  	[tilespmem:v16+s2+$0x0] =	vst.idx.msk vm6, v0  }
0x166: {  	[hbm4b:s18+s11] =	stream.strided.scatter [tilespmem:s3], [sflag:$0x2], $0xF800, s12, s11, $0x38;
	[tilespmem:$0x1F600] =	vst v63  }
0x167: {  	v18 =	vld [tilespmem:$0x1C0]  }
0x168: {  	v22 =	vld [tilespmem:$0x1B0]  }
0x169: {  	v17 =	vld [tilespmem:$0x1F0]  }
0x16a: {  	v20 =	vld [tilespmem:$0x1D0]  }
0x16b: {  	v19 =	vld [tilespmem:$0x1E0]  }
0x16c: {  	v25 =	vld [tilespmem:$0x180]  }
0x16d: {  	v24 =	vld [tilespmem:$0x190]  }
0x16e: {  	v23 =	vld [tilespmem:$0x1A0];
	_ =	swait.ge [sflag:s8], $0xFC00  }
0x16f: {  	[sflag:s8] =	ssyncset.done $0x0  }
0x170: {  	[sflag:s8] =	ssyncadd.s32 $0xFFFF0400  }
0x171: {  	[tilespmem:v21+s2+$0x0] =	vst.idx.msk vm7, v9;
	v26 =	vshll.u32 v25, $0x7;
	vm14 =	vgt.s32 v25, $0x1F7;
	vm7 =	vlt.s32 v25, $0x1F8;
	v25 =	vld [tilespmem:$0x1FFB0];
	_ =	sdelay $0x4  }
0x172: {  	vm0 =	vnez.u8 v25;
	_ =	sdelay $0x5  }
0x173: {  	[tilespmem:v10+s2+$0x0] =	vst.idx.msk vm0, v9  }
0x174: {  	[tilespmem:v11+s2+$0x0] =	vst.idx.msk vm15, v9  }
0x175: {  	v27 =	vshll.u32 v24, $0x7;
	v25 =	vor.u32 v1, v26;
	vm0 =	vlt.s32 v24, $0x1F8;
	[tilespmem:v12+s2+$0x0] =	vst.idx.msk vm9, v9  }
0x176: {  	v62 =	vshll.u32 v23, $0x7;
	v26 =	vor.u32 v2, v27;
	vm15 =	vlt.s32 v23, $0x1F8;
	[tilespmem:v13+s2+$0x0] =	vst.idx.msk vm10, v9  }
0x177: {  	v28 =	vshll.u32 v22, $0x7;
	v27 =	vor.u32 v3, v62;
	vm9 =	vlt.s32 v22, $0x1F8;
	[tilespmem:v14+s2+$0x0] =	vst.idx.msk vm11, v9  }
0x178: {  	v29 =	vshll.u32 v18, $0x7;
	v28 =	vor.u32 v4, v28;
	vm10 =	vlt.s32 v18, $0x1F8;
	[tilespmem:v15+s2+$0x0] =	vst.idx.msk vm12, v9  }
0x179: {  	v30 =	vshll.u32 v20, $0x7;
	v29 =	vor.u32 v5, v29;
	vm11 =	vlt.s32 v20, $0x1F8;
	[tilespmem:v16+s2+$0x0] =	vst.idx.msk vm13, v9  }
0x17a: {  	v31 =	vshll.u32 v19, $0x7;
	v30 =	vor.u32 v6, v30;
	vm12 =	vlt.s32 v19, $0x1F8;
	[tilespmem:v25+s2+$0x0] =	vst.idx.msk vm7, v0  }
0x17b: {  	v61 =	vshll.u32 v17, $0x7;
	v31 =	vor.u32 v7, v31;
	vm13 =	vlt.s32 v17, $0x1F8;
	[tilespmem:v26+s2+$0x0] =	vst.idx.msk vm0, v0  }
0x17c: {  	v32 =	vor.u32 v8, v61;
	[tilespmem:v27+s2+$0x0] =	vst.idx.msk vm15, v0  }
0x17d: {  	[tilespmem:v28+s2+$0x0] =	vst.idx.msk vm9, v0  }
0x17e: {  	[tilespmem:v29+s2+$0x0] =	vst.idx.msk vm10, v0  }
0x17f: {  	[tilespmem:v30+s2+$0x0] =	vst.idx.msk vm11, v0  }
0x180: {  	[tilespmem:v31+s2+$0x0] =	vst.idx.msk vm12, v0  }
0x181: {  	[tilespmem:v32+s2+$0x0] =	vst.idx.msk vm13, v0  }
0x182: {  	[hbm4b:s20+s11] =	stream.strided.scatter [tilespmem:s2], [sflag:$0x1], $0xFC00, s12, s11, $0x38;
	[tilespmem:$0x1F600] =	vst v63  }
0x183: {  	_ =	swait.ge [sflag:s10], $0xF800  }
0x184: {  	v63 =	vld [tilespmem:$0x1FFC0];
	_ =	sdelay $0x4  }
0x185: {  	vm0 =	vnez.u8 v63  }
0x186: {  	p0 =	sne.s32 s21, $0x1  }
.Ltmp1:
0x187: {  	_ = 	snop;
	(pc) =	sbr.rel @p0 .LBB2_1-.Ltmp1, $4  }
0x188: {  	_ = 	snop  }
0x189: {  	[sflag:s10] =	ssyncset.done $0x0  }
0x18a: {  	[sflag:s10] =	ssyncadd.s32 $0xFFFF0800  }
0x18b: {  	s21 =	sadd.s32 $0xFFFFFFFF, s21;
	[tilespmem:v21+s2+$0x0] =	vst.idx.msk vm0, v9  }
.LBB2_2:
0x18c: {  	_ =	sdelay $0x4  }
0x18d: {  	[tilespmem:v10+s2+$0x0] =	vst.idx.msk vm8, v9  }
0x18e: {  	[tilespmem:v11+s2+$0x0] =	vst.idx.msk vm1, v9  }
0x18f: {  	vm0 =	vgt.s32 v24, $0x1F7;
	[tilespmem:v12+s2+$0x0] =	vst.idx.msk vm2, v9  }
0x190: {  	vm9 =	vgt.s32 v23, $0x1F7;
	[tilespmem:v13+s2+$0x0] =	vst.idx.msk vm3, v9  }
0x191: {  	vm10 =	vgt.s32 v22, $0x1F7;
	[tilespmem:v14+s2+$0x0] =	vst.idx.msk vm4, v9  }
0x192: {  	vm11 =	vgt.s32 v18, $0x1F7;
	[tilespmem:v15+s2+$0x0] =	vst.idx.msk vm5, v9  }
0x193: {  	vm12 =	vgt.s32 v20, $0x1F7;
	[tilespmem:v16+s2+$0x0] =	vst.idx.msk vm6, v9  }
0x194: {  	vm13 =	vgt.s32 v19, $0x1F7;
	[tilespmem:v25+s2+$0x0] =	vst.idx.msk vm14, v0  }
0x195: {  	vm15 =	vgt.s32 v17, $0x1F7;
	[tilespmem:v26+s2+$0x0] =	vst.idx.msk vm0, v0  }
0x196: {  	[tilespmem:v27+s2+$0x0] =	vst.idx.msk vm9, v0  }
0x197: {  	[tilespmem:v28+s2+$0x0] =	vst.idx.msk vm10, v0  }
0x198: {  	[tilespmem:v29+s2+$0x0] =	vst.idx.msk vm11, v0  }
0x199: {  	[tilespmem:v30+s2+$0x0] =	vst.idx.msk vm12, v0  }
0x19a: {  	[tilespmem:v31+s2+$0x0] =	vst.idx.msk vm13, v0  }
0x19b: {  	[tilespmem:v32+s2+$0x0] =	vst.idx.msk vm15, v0  }
0x19c: {  	[hbm4b:s19+s11] =	stream.strided.scatter [tilespmem:s3], [sflag:$0x2], $0xF800, s12, s11, $0x38;
	[tilespmem:$0x1F600] =	vst v63  }
0x19d: {  	_ =	swait.ge [sflag:s8], $0xFC00  }
0x19e: {  	[sflag:s8] =	ssyncset.done $0x0  }
0x19f: {  	[sflag:s8] =	ssyncadd.s32 $0xFFFF0400  }
0x1a0: {  	_ =	swait.ge [sflag:s10], $0xF800  }
0x1a1: {  	[sflag:s10] =	ssyncset.done $0x0  }
0x1a2: {  	[sflag:s10] =	ssyncadd.s32 $0xFFFF0800  }
0x1a3: {  	_ =	sfence.sel $0x180000  }
0x1a4: {  	[bflag:$0x0] =	sbarrier.arrive $0xFFFF  }
0x1a5: {  	p0 =	sne.s32 s1, $0x0;
	_ =	strace $0x90000047  }
0x1a6: {  	s0 =	sadd.s32 @!p0 $0x100000, s0;
	[bflag:$0x2] =	sbarrier.arrive $0xFFFF  }
0x1a7: {  	[sflag:s0] =	ssyncadd.tile.s32 @!p0 $0x1;
	_ =	shalt  }
.Lfunc_end2:
_tile_overlayer_lowered:
.L_overlay_start_2:
0x1a8: {  	(tag) =	ssettag $0x2  }
0x1a9: {  	s0 =	rddreg [dreg:$0x0];
	s2 =	stileid.u32  }
0x1aa: {  	s1 =	rddreg [dreg:$0x1];
	p0 =	sne.s32 s2, $0x0  }
0x1ab: {  	s3 =	rddreg [dreg:$0x2];
	[bflag:$0x3] =	sbarrier.arrive $0xFFFF;
	s2 =	simm.s32 @!p0 $0x1C03  }
0x1ac: {  	[timem:s3], [sflag:s2] =	dma.local @!p0 [hbm:s0], s1  }
0x1ad: {  	s0 =	simm.s32 @!p0 $0x3  }
0x1ae: {  	_ =	swait.ge @!p0 [sflag:s0], s1  }
0x1af: {  	s1 =	ssub.s32 @!p0 $0x0, s1;
	[sflag:s0] =	ssyncset.done @!p0 $0x0  }
0x1b0: {  	[sflag:s0] =	ssyncadd.s32 @!p0 s1  }
0x1b1: {  	[bflag:$0x3] =	sbarrier.arrive $0xFFFF  }
0x1b2: {  	_ =	shalt  }

</sc_bundles>
